<compile_context>
chip_gen: v7x
topology: tpu7x:2x2x1
jax: 0.10.2.dev20260603
libtpu: 0.0.44.dev20260713+nightly
codegen_flags: <defaults>
</compile_context>

<pallas_src>
import functools
import jax
import jax.numpy as jnp
from jax import lax
from jax.experimental import pallas as pl
from jax.experimental.pallas import tpu as pltpu
from jax.experimental.pallas import tpu_sc as plsc

D = 128
H = 8
DH = D // H
LBAS = 64


def _sc_mesh(num_cores=None):
    if num_cores is None:
        return plsc.VectorSubcoreMesh(core_axis_name="c", subcore_axis_name="s")
    return plsc.VectorSubcoreMesh(core_axis_name="c", subcore_axis_name="s",
                                  num_cores=num_cores)


def _gather_stage(xs1, pos4, src, dst, E, N, NC, NS):
    NW = NC * NS
    CH = E // NW
    B = 80
    NBATCH = CH // B

    @functools.partial(
        pl.kernel,
        mesh=_sc_mesh(),
        out_type=(
            jax.ShapeDtypeStruct((E, D), jnp.float32),
            jax.ShapeDtypeStruct((E, D), jnp.float32),
        ),
        scratch_types=[
            pltpu.VMEM((CH,), jnp.int32),
            pltpu.VMEM((CH,), jnp.int32),
            pltpu.VMEM((B, D), jnp.float32),
            pltpu.VMEM((B, D), jnp.float32),
            pltpu.VMEM((B, D), jnp.float32),
            pltpu.SemaphoreType.DMA,
        ],
    )
    def k(xs1_hbm, pos_hbm, src_hbm, dst_hbm, g_hbm, pd_hbm,
          si_v, di_v, g_v, ps_v, pd_v, sem):
        wid = lax.axis_index("s") * NC + lax.axis_index("c")
        base = wid * CH
        pltpu.sync_copy(src_hbm.at[pl.ds(base, CH)], si_v)
        pltpu.sync_copy(dst_hbm.at[pl.ds(base, CH)], di_v)

        def body(j, _):
            ebase = base + j * B
            off = j * B
            c1 = pltpu.async_copy(xs1_hbm.at[si_v.at[pl.ds(off, B)]], g_v, sem)
            c2 = pltpu.async_copy(pos_hbm.at[si_v.at[pl.ds(off, B)]], ps_v, sem)
            c3 = pltpu.async_copy(pos_hbm.at[di_v.at[pl.ds(off, B)]], pd_v, sem)
            c1.wait()
            pltpu.sync_copy(g_v, g_hbm.at[pl.ds(ebase, B)])
            c2.wait()
            c3.wait()

            def sub_row(r, _):
                pd_v[r, pl.ds(0, 16)] = pd_v[r, pl.ds(0, 16)] - ps_v[r, pl.ds(0, 16)]
                return 0

            lax.fori_loop(0, B, sub_row, 0)
            pltpu.sync_copy(pd_v, pd_hbm.at[pl.ds(ebase, B)])
            return 0

        lax.fori_loop(0, NBATCH, body, 0)

    return k(xs1, pos4, src, dst)


def _scatter_partials(wp, dst, E, N, NC, NS, W):
    NW = NC * NS
    CH = E // NW
    B = 80
    NBATCH = CH // B
    NCHUNK = N // B
    KMAX = (NCHUNK + NS - 1) // NS

    zeros_w = jnp.zeros((B, W), jnp.float32)

    @functools.partial(
        pl.kernel,
        mesh=_sc_mesh(),
        out_type=jax.ShapeDtypeStruct((NC, N, W), jnp.float32),
        scratch_types=[
            pltpu.VMEM_SHARED((N, W), jnp.float32),
            pltpu.VMEM((B, W), jnp.float32),
            pltpu.VMEM((B,), jnp.int32),
        ],
    )
    def k(w_hbm, dst_hbm, zw_hbm, pw_hbm, tw_s, w_v, di_v):
        cid = lax.axis_index("c")
        sid = lax.axis_index("s")

        pltpu.sync_copy(zw_hbm, w_v)

        def initk(kk, _):
            c = kk * NS + sid

            @pl.when(c < NCHUNK)
            def _():
                pltpu.sync_copy(w_v, tw_s.at[pl.ds(c * B, B)])

            return 0

        lax.fori_loop(0, KMAX, initk, 0)
        plsc.subcore_barrier()

        wid = sid * NC + cid
        base = wid * CH

        def body(j, _):
            ebase = base + j * B
            pltpu.sync_copy(dst_hbm.at[pl.ds(ebase, B)], di_v)
            pltpu.sync_copy(w_hbm.at[pl.ds(ebase, B)], w_v)
            pltpu.sync_copy(w_v, tw_s.at[di_v], add=True)
            return 0

        lax.fori_loop(0, NBATCH, body, 0)
        plsc.subcore_barrier()

        def dumpk(kk, _):
            c = kk * NS + sid

            @pl.when(c < NCHUNK)
            def _():
                pltpu.sync_copy(tw_s.at[pl.ds(c * B, B)], w_v)
                pltpu.sync_copy(w_v, pw_hbm.at[cid, pl.ds(c * B, B)])

            return 0

        lax.fori_loop(0, KMAX, dumpk, 0)

    return k(wp, dst, zeros_w)



def _head_expander():
    hh = lax.broadcasted_iota(jnp.int32, (H, D), 0)
    dd = lax.broadcasted_iota(jnp.int32, (H, D), 1) // DH
    return (hh == dd).astype(jnp.float32)


def _node_precompute(x, W_pre, b_pre, W_v, b_v, N):
    BN = 2000
    NB = N // BN

    def body(x_ref, wpre_ref, bpre_ref, wv_ref, bv_ref, xs1_ref, xs2c_ref):
        wv = wv_ref[...]
        u1 = wpre_ref[0:D, :] @ wv
        u2 = wpre_ref[D:2 * D, :] @ wv
        c = bpre_ref[...] @ wv + bv_ref[...]
        xb = x_ref[...]
        xs1_ref[...] = xb @ u1
        xs2c_ref[...] = xb @ u2 + c

    return pl.pallas_call(
        body,
        grid=(NB,),
        in_specs=[
            pl.BlockSpec((BN, D), lambda i: (i, 0)),
            pl.BlockSpec((2 * D + LBAS, D), lambda i: (0, 0)),
            pl.BlockSpec((1, D), lambda i: (0, 0)),
            pl.BlockSpec((D, D), lambda i: (0, 0)),
            pl.BlockSpec((1, D), lambda i: (0, 0)),
        ],
        out_specs=[
            pl.BlockSpec((BN, D), lambda i: (i, 0)),
            pl.BlockSpec((BN, D), lambda i: (i, 0)),
        ],
        out_shape=[
            jax.ShapeDtypeStruct((N, D), jnp.float32),
            jax.ShapeDtypeStruct((N, D), jnp.float32),
        ],
    )(x, W_pre, b_pre.reshape(1, D), W_v, b_v.reshape(1, D))


def _silu(v):
    return v / (1.0 + jnp.exp(-v))


def _lnorm(v):
    m = jnp.mean(v, axis=-1, keepdims=True)
    d = v - m
    s = jnp.mean(d * d, axis=-1, keepdims=True)
    return d / jnp.sqrt(s + 1e-6)


def _edge_compute(dv, g, W_pre, W_v, A11, a11, A12, a12, A13, a13,
                  A21, a21, A22, a22, A23, a23, E):
    BE = 3200
    NB = E // BE

    def body(dv_ref, g_ref, wpre3_ref, wv_ref,
             A11_ref, a11_ref, A12_ref, a12_ref, A13_ref, a13_ref,
             A21_ref, a21_ref, A22_ref, a22_ref, A23_ref, a23_ref,
             w1_ref, w2_ref):
        dvec = dv_ref[...]
        d2 = jnp.sum(dvec * dvec, axis=1, keepdims=True)
        r = jnp.sqrt(d2)
        step = 5.0 / (LBAS - 1)
        centers = lax.broadcasted_iota(jnp.int32, (1, LBAS), 1).astype(jnp.float32) * step
        width = 0.5 * 5.0 / LBAS
        inv2w2 = 1.0 / (2.0 * width * width)
        diff = r - centers
        emb = jnp.exp(-(diff * diff) * inv2w2)

        def mlp(e, W1, b1, W2, b2, W3, b3):
            h = _silu(_lnorm(e @ W1[...] + b1[...]))
            h = _silu(_lnorm(h @ W2[...] + b2[...]))
            return h @ W3[...] + b3[...]

        m1 = mlp(emb, A11_ref, a11_ref, A12_ref, a12_ref, A13_ref, a13_ref)
        m2 = mlp(emb, A21_ref, a21_ref, A22_ref, a22_ref, A23_ref, a23_ref)
        alpha = jnp.clip(m1 * m2, -60.0, 60.0)
        a = jnp.exp(alpha)
        u3 = wpre3_ref[...] @ wv_ref[...]
        v3 = emb @ u3
        a128 = a @ _head_expander()
        w1_ref[...] = (g_ref[...] + v3) * a128
        w2_ref[...] = jnp.concatenate(
            [a, jnp.zeros((BE, D - H), jnp.float32)], axis=1)

    full = lambda sh: pl.BlockSpec(sh, lambda i: (0, 0))
    return pl.pallas_call(
        body,
        grid=(NB,),
        in_specs=[
            pl.BlockSpec((BE, D), lambda i: (i, 0)),
            pl.BlockSpec((BE, D), lambda i: (i, 0)),
            pl.BlockSpec((LBAS, D), lambda i: (4, 0)),
            full((D, D)),
            full((LBAS, LBAS)), full((1, LBAS)),
            full((LBAS, LBAS)), full((1, LBAS)),
            full((LBAS, H)), full((1, H)),
            full((LBAS, LBAS)), full((1, LBAS)),
            full((LBAS, LBAS)), full((1, LBAS)),
            full((LBAS, H)), full((1, H)),
        ],
        out_specs=[
            pl.BlockSpec((BE, D), lambda i: (i, 0)),
            pl.BlockSpec((BE, D), lambda i: (i, 0)),
        ],
        out_shape=[
            jax.ShapeDtypeStruct((E, D), jnp.float32),
            jax.ShapeDtypeStruct((E, D), jnp.float32),
        ],
    )(dv, g, W_pre, W_v,
      A11, a11.reshape(1, LBAS), A12, a12.reshape(1, LBAS),
      A13, a13.reshape(1, H), A21, a21.reshape(1, LBAS),
      A22, a22.reshape(1, LBAS), A23, a23.reshape(1, H))


def _finalize(pw1, pw2, xs2c, W_o, b_o, N, NC):
    BN = 2000
    NB = N // BN

    def body(pw1_ref, pw2_ref, xs2c_ref, wo_ref, bo_ref, out_ref):
        p1 = pw1_ref[0]
        p2 = pw2_ref[0]
        for cc in range(1, NC):
            p1 = p1 + pw1_ref[cc]
            p2 = p2 + pw2_ref[cc]
        numer = p1
        asum8 = p2[:, 0:H]
        asum128 = asum8 @ _head_expander()
        cond = asum128 > 0.0
        safe = jnp.where(cond, asum128, 1.0)
        node = jnp.where(cond, numer / safe + xs2c_ref[...], 0.0)
        out_ref[...] = node @ wo_ref[...] + bo_ref[...]

    return pl.pallas_call(
        body,
        grid=(NB,),
        in_specs=[
            pl.BlockSpec((NC, BN, D), lambda i: (0, i, 0)),
            pl.BlockSpec((NC, BN, D), lambda i: (0, i, 0)),
            pl.BlockSpec((BN, D), lambda i: (i, 0)),
            pl.BlockSpec((D, D), lambda i: (0, 0)),
            pl.BlockSpec((1, D), lambda i: (0, 0)),
        ],
        out_specs=pl.BlockSpec((BN, D), lambda i: (i, 0)),
        out_shape=jax.ShapeDtypeStruct((N, D), jnp.float32),
    )(pw1, pw2, xs2c, W_o, b_o.reshape(1, D))



def kernel(x, pos, edge_index, W_pre, b_pre, A11, a11, A12, a12, A13, a13,
           A21, a21, A22, a22, A23, a23, W_v, b_v, W_o, b_o):
    N = x.shape[0]
    E = edge_index.shape[1]
    info = plsc.get_sparse_core_info()
    NC, NS = info.num_cores, info.num_subcores

    ei = edge_index.astype(jnp.int32)
    src = ei[0]
    dst = ei[1]

    pos128 = jnp.pad(pos, ((0, 0), (0, D - 3)))
    xs1, xs2c = _node_precompute(x, W_pre, b_pre, W_v, b_v, N)
    g, dv = _gather_stage(xs1, pos128, src, dst, E, N, NC, NS)
    w1, w2 = _edge_compute(dv, g, W_pre, W_v, A11, a11, A12, a12, A13, a13,
                           A21, a21, A22, a22, A23, a23, E)
    pw1 = _scatter_partials(w1, dst, E, N, NC, NS, D)
    pw2 = _scatter_partials(w2, dst, E, N, NC, NS, D)
    return _finalize(pw1, pw2, xs2c, W_o, b_o, N, NC)

# --- scband reference (transcript-rebuilt; emitter-appended) ---
"""Pipeline reference for scband-nets-71554155151852 (READ-ONLY COPY).

The authoritative reference and input builder live on the scoring server;
editing this copy changes nothing except your own understanding.
"""

import jax, jax.numpy as jnp
import numpy as np

N = 10000
E = 320000
D = 128
H = 8
DH = D // H
LBAS = 64

def _silu(v):
    return v * jax.nn.sigmoid(v)

def _ln(v, eps=1e-6):
    m = jnp.mean(v, axis=-1, keepdims=True)
    s = jnp.var(v, axis=-1, keepdims=True)
    return (v - m) / jnp.sqrt(s + eps)

def _gauss(r, min_val=0.0, max_val=5.0, num_basis=LBAS):
    centers = jnp.linspace(min_val, max_val, num_basis, dtype=r.dtype)
    width = 0.5 * (max_val - min_val) / num_basis
    return jnp.exp(-(r[:, None] - centers[None, :]) ** 2 / (2.0 * width ** 2))

def _mlp(e, W1, b1, W2, b2, W3, b3):
    h = _silu(_ln(e @ W1 + b1))
    h = _silu(_ln(h @ W2 + b2))
    return h @ W3 + b3

def setup_inputs(seed: int = 0) -> dict:
    key = jax.random.key(seed)
    ks = jax.random.split(key, 24)
    d = {}
    d['x'] = jax.random.normal(ks[0], (N, D), dtype=jnp.float32)
    d['pos'] = jax.random.normal(ks[1], (N, 3), dtype=jnp.float32)
    d['edge_index'] = jax.random.randint(ks[2], (2, E), 0, N, dtype=jnp.int64)
    sc = lambda k, sh: jax.random.normal(k, sh, dtype=jnp.float32) * (1.0 / np.sqrt(sh[0]))
    d['W_pre'] = sc(ks[3], (2 * D + LBAS, D)); d['b_pre'] = jnp.zeros((D,), jnp.float32)
    d['A11'] = sc(ks[4], (LBAS, 64)); d['a11'] = jnp.zeros((64,), jnp.float32)
    d['A12'] = sc(ks[5], (64, 64)); d['a12'] = jnp.zeros((64,), jnp.float32)
    d['A13'] = sc(ks[6], (64, H)); d['a13'] = jnp.zeros((H,), jnp.float32)
    d['A21'] = sc(ks[7], (LBAS, 64)); d['a21'] = jnp.zeros((64,), jnp.float32)
    d['A22'] = sc(ks[8], (64, 64)); d['a22'] = jnp.zeros((64,), jnp.float32)
    d['A23'] = sc(ks[9], (64, H)); d['a23'] = jnp.zeros((H,), jnp.float32)
    d['W_v'] = sc(ks[10], (D, D)); d['b_v'] = jnp.zeros((D,), jnp.float32)
    d['W_o'] = sc(ks[11], (D, D)); d['b_o'] = jnp.zeros((D,), jnp.float32)
    return d

def reference(x, pos, edge_index, W_pre, b_pre, A11, a11, A12, a12, A13, a13, A21, a21, A22, a22, A23, a23, W_v, b_v, W_o, b_o):
    src = edge_index[0]
    dst = edge_index[1]
    n = x.shape[0]
    edge_vec = pos[dst] - pos[src]
    r = jnp.linalg.norm(edge_vec, axis=-1)
    emb = _gauss(r)
    msg = jnp.concatenate([x[src], x[dst], emb], axis=-1) @ W_pre + b_pre
    alpha = _mlp(emb, A11, a11, A12, a12, A13, a13) * _mlp(emb, A21, a21, A22, a22, A23, a23)
    amax = jax.ops.segment_max(alpha, dst, num_segments=n)
    a = jnp.exp(alpha - amax[dst])
    asum = jax.ops.segment_sum(a, dst, num_segments=n)
    attn = a / (asum[dst] + 1e-16)
    value = (msg @ W_v + b_v).reshape(msg.shape[0], H, DH)
    edge_out = (value * attn[:, :, None]).reshape(msg.shape[0], D)
    node_out = jax.ops.segment_sum(edge_out, dst, num_segments=n)
    return node_out @ W_o + b_o

if __name__ == "__main__":
    import jax
    _d = setup_inputs()
    print(jax.jit(kernel)(*tuple(_d.values())))

</pallas_src>

<mosaic_0001>
#map = affine_map<(d0, d1) -> (0, 0)>
#map1 = affine_map<(d0, d1) -> (0)>
#map2 = affine_map<(d0, d1) -> (0, 0, 0)>
module attributes {stable_mosaic.version = 14 : i64} {
  func.func @k(%arg0: i32, %arg1: i32, %arg2: memref<320000x128xf32, #tpu.memory_space<hbm>>, %arg3: memref<320000xi32, #tpu.memory_space<hbm>>, %arg4: memref<80x128xf32, #tpu.memory_space<hbm>>, %arg5: memref<2x10000x128xf32, #tpu.memory_space<hbm>>, %arg6: memref<10000x128xf32, #tpu.memory_space<vmem_shared>>, %arg7: memref<80x128xf32, #tpu.memory_space<vmem>>, %arg8: memref<80xi32, #tpu.memory_space<vmem>>) attributes {dimension_semantics = [#tpu.dimension_semantics<core_parallel>, #tpu.dimension_semantics<subcore_parallel>], iteration_bounds = array<i64: 2, 16>, scalar_prefetch = 0 : i64, scratch_operands = 3 : i64, tpu.core_type = #tpu.core_type<sc_vector_subcore>, window_params = [{transform_indices = #map}, {transform_indices = #map1}, {transform_indices = #map}, {transform_indices = #map2}]} {
    "tpu.region"() ({
      %run_scoped3A = tpu.sem_alloc : memref<!tpu.dma_semaphore, #tpu.memory_space<semaphore_mem>>
      tpu.enqueue_dma source(%arg4 : memref<80x128xf32, #tpu.memory_space<hbm>>) target(%arg7 : memref<80x128xf32, #tpu.memory_space<vmem>>) target_semaphore(%run_scoped3A : memref<!tpu.dma_semaphore, #tpu.memory_space<semaphore_mem>>)
      tpu.wait_dma2 semaphore(%run_scoped3A : memref<!tpu.dma_semaphore, #tpu.memory_space<semaphore_mem>>) src(%arg4 : memref<80x128xf32, #tpu.memory_space<hbm>>) dst(%arg7 : memref<80x128xf32, #tpu.memory_space<vmem>>)
      tpu.yield
    }) : () -> ()
    %scan3A = arith.constant 0 : i32
    %scan3A_0 = arith.constant 0 : i32
    %scan3A_1 = arith.constant 8 : i32
    %scan3A_2 = arith.addi %scan3A_0, %scan3A_1 : i32
    %scan3A_3 = arith.constant 1 : i32
    %scan3A_4 = scf.for %scan3A_24 = %scan3A_0 to %scan3A_2 step %scan3A_3 iter_args(%scan3A_25 = %scan3A) -> (i32)  : i32 {
      %mul3A_26 = arith.constant 16 : i32
      %mul3A_27 = arith.muli %scan3A_24, %mul3A_26 : i32
      %add3A_28 = arith.addi %mul3A_27, %arg1 : i32
      %lt3A = arith.constant 125 : i32
      %lt3A_29 = arith.cmpi slt, %add3A_28, %lt3A : i32
      %convert_element_type3A = arith.extui %lt3A_29 : i1 to i32
      %cond3A = arith.constant 0 : i32
      %cond3A_30 = arith.cmpi ne, %convert_element_type3A, %cond3A : i32
      scf.if %cond3A_30 {
        %mul3A_32 = arith.constant 80 : i32
        %mul3A_33 = arith.muli %add3A_28, %mul3A_32 : i32
        "tpu.region"() ({
          %run_scoped3A = tpu.sem_alloc : memref<!tpu.dma_semaphore, #tpu.memory_space<semaphore_mem>>
          %dma_start3A = arith.constant 0 : i32
          %dma_start3A_34 = tpu.memref_slice %arg6[%mul3A_33, %dma_start3A] : memref<10000x128xf32, #tpu.memory_space<vmem_shared>> -> memref<80x128xf32, #tpu.memory_space<vmem_shared>>
          %dma_start3A_35 = arith.constant 0 : i32
          %dma_start3A_36 = tpu.memref_slice %arg6[%mul3A_33, %dma_start3A_35] : memref<10000x128xf32, #tpu.memory_space<vmem_shared>> -> memref<80x128xf32, #tpu.memory_space<vmem_shared>>
          tpu.enqueue_dma source(%arg7 : memref<80x128xf32, #tpu.memory_space<vmem>>) target(%dma_start3A_36 : memref<80x128xf32, #tpu.memory_space<vmem_shared>>) target_semaphore(%run_scoped3A : memref<!tpu.dma_semaphore, #tpu.memory_space<semaphore_mem>>)
          %dma_wait3A = arith.constant 0 : i32
          %dma_wait3A_37 = tpu.memref_slice %arg6[%mul3A_33, %dma_wait3A] : memref<10000x128xf32, #tpu.memory_space<vmem_shared>> -> memref<80x128xf32, #tpu.memory_space<vmem_shared>>
          %dma_wait3A_38 = arith.constant 0 : i32
          %dma_wait3A_39 = tpu.memref_slice %arg6[%mul3A_33, %dma_wait3A_38] : memref<10000x128xf32, #tpu.memory_space<vmem_shared>> -> memref<80x128xf32, #tpu.memory_space<vmem_shared>>
          tpu.wait_dma2 semaphore(%run_scoped3A : memref<!tpu.dma_semaphore, #tpu.memory_space<semaphore_mem>>) src(%arg7 : memref<80x128xf32, #tpu.memory_space<vmem>>) dst(%dma_wait3A_39 : memref<80x128xf32, #tpu.memory_space<vmem_shared>>)
          tpu.yield
        }) : () -> ()
      } else {
      }
      %scan3A_31 = arith.constant 0 : i32
      scf.yield %scan3A_31 : i32
    }
    %scan3A_5 = arith.constant 8 : i32
    %barrier3A = arith.constant 0 : index
    tpu.barrier barrier_id(%barrier3A)
    %mul3A = arith.constant 2 : i32
    %mul3A_6 = arith.muli %arg1, %mul3A : i32
    %add3A = arith.addi %mul3A_6, %arg0 : i32
    %mul3A_7 = arith.constant 10000 : i32
    %mul3A_8 = arith.muli %add3A, %mul3A_7 : i32
    %scan3A_9 = arith.constant 0 : i32
    %scan3A_10 = arith.constant 0 : i32
    %scan3A_11 = arith.constant 125 : i32
    %scan3A_12 = arith.addi %scan3A_10, %scan3A_11 : i32
    %scan3A_13 = arith.constant 1 : i32
    %scan3A_14 = scf.for %scan3A_24 = %scan3A_10 to %scan3A_12 step %scan3A_13 iter_args(%scan3A_25 = %scan3A_9) -> (i32)  : i32 {
      %mul3A_26 = arith.constant 80 : i32
      %mul3A_27 = arith.muli %scan3A_24, %mul3A_26 : i32
      %add3A_28 = arith.addi %mul3A_8, %mul3A_27 : i32
      "tpu.region"() ({
        %run_scoped3A = tpu.sem_alloc : memref<!tpu.dma_semaphore, #tpu.memory_space<semaphore_mem>>
        %dma_start3A = tpu.memref_slice %arg3[%add3A_28] : memref<320000xi32, #tpu.memory_space<hbm>> -> memref<80xi32, #tpu.memory_space<hbm>>
        %dma_start3A_30 = tpu.memref_slice %arg3[%add3A_28] : memref<320000xi32, #tpu.memory_space<hbm>> -> memref<80xi32, #tpu.memory_space<hbm>>
        tpu.enqueue_dma source(%dma_start3A_30 : memref<80xi32, #tpu.memory_space<hbm>>) target(%arg8 : memref<80xi32, #tpu.memory_space<vmem>>) target_semaphore(%run_scoped3A : memref<!tpu.dma_semaphore, #tpu.memory_space<semaphore_mem>>)
        %dma_wait3A = tpu.memref_slice %arg3[%add3A_28] : memref<320000xi32, #tpu.memory_space<hbm>> -> memref<80xi32, #tpu.memory_space<hbm>>
        %dma_wait3A_31 = tpu.memref_slice %arg3[%add3A_28] : memref<320000xi32, #tpu.memory_space<hbm>> -> memref<80xi32, #tpu.memory_space<hbm>>
        tpu.wait_dma2 semaphore(%run_scoped3A : memref<!tpu.dma_semaphore, #tpu.memory_space<semaphore_mem>>) src(%dma_wait3A_31 : memref<80xi32, #tpu.memory_space<hbm>>) dst(%arg8 : memref<80xi32, #tpu.memory_space<vmem>>)
        tpu.yield
      }) : () -> ()
      "tpu.region"() ({
        %run_scoped3A = tpu.sem_alloc : memref<!tpu.dma_semaphore, #tpu.memory_space<semaphore_mem>>
        %dma_start3A = arith.constant 0 : i32
        %dma_start3A_30 = tpu.memref_slice %arg2[%add3A_28, %dma_start3A] : memref<320000x128xf32, #tpu.memory_space<hbm>> -> memref<80x128xf32, #tpu.memory_space<hbm>>
        %dma_start3A_31 = arith.constant 0 : i32
        %dma_start3A_32 = tpu.memref_slice %arg2[%add3A_28, %dma_start3A_31] : memref<320000x128xf32, #tpu.memory_space<hbm>> -> memref<80x128xf32, #tpu.memory_space<hbm>>
        tpu.enqueue_dma source(%dma_start3A_32 : memref<80x128xf32, #tpu.memory_space<hbm>>) target(%arg7 : memref<80x128xf32, #tpu.memory_space<vmem>>) target_semaphore(%run_scoped3A : memref<!tpu.dma_semaphore, #tpu.memory_space<semaphore_mem>>)
        %dma_wait3A = arith.constant 0 : i32
        %dma_wait3A_33 = tpu.memref_slice %arg2[%add3A_28, %dma_wait3A] : memref<320000x128xf32, #tpu.memory_space<hbm>> -> memref<80x128xf32, #tpu.memory_space<hbm>>
        %dma_wait3A_34 = arith.constant 0 : i32
        %dma_wait3A_35 = tpu.memref_slice %arg2[%add3A_28, %dma_wait3A_34] : memref<320000x128xf32, #tpu.memory_space<hbm>> -> memref<80x128xf32, #tpu.memory_space<hbm>>
        tpu.wait_dma2 semaphore(%run_scoped3A : memref<!tpu.dma_semaphore, #tpu.memory_space<semaphore_mem>>) src(%dma_wait3A_35 : memref<80x128xf32, #tpu.memory_space<hbm>>) dst(%arg7 : memref<80x128xf32, #tpu.memory_space<vmem>>)
        tpu.yield
      }) : () -> ()
      "tpu.region"() ({
        %run_scoped3A = tpu.sem_alloc : memref<!tpu.dma_semaphore, #tpu.memory_space<semaphore_mem>>
        %dma_start3A = arith.constant 0 : i32
        %dma_start3A_30 = arith.constant 0 : i32
        %dma_start3A_31 = tpu.memref_slice %arg6[%dma_start3A, %dma_start3A_30] : memref<10000x128xf32, #tpu.memory_space<vmem_shared>> -> memref<10000x128xf32, #tpu.memory_space<vmem_shared>>
        tpu.enqueue_indirect_dma source(%arg7 : memref<80x128xf32, #tpu.memory_space<vmem>>) target(%dma_start3A_31 : memref<10000x128xf32, #tpu.memory_space<vmem_shared>>) offsets(%arg8 : memref<80xi32, #tpu.memory_space<vmem>>) semaphore(%run_scoped3A : memref<!tpu.dma_semaphore, #tpu.memory_space<semaphore_mem>>) {add = true}
        %dma_wait3A = arith.constant 0 : i32
        %dma_wait3A_32 = arith.constant 0 : i32
        %dma_wait3A_33 = tpu.memref_slice %arg6[%dma_wait3A, %dma_wait3A_32] : memref<10000x128xf32, #tpu.memory_space<vmem_shared>> -> memref<10000x128xf32, #tpu.memory_space<vmem_shared>>
        tpu.wait_indirect_dma semaphore(%run_scoped3A : memref<!tpu.dma_semaphore, #tpu.memory_space<semaphore_mem>>) src(%arg7 : memref<80x128xf32, #tpu.memory_space<vmem>>) dst(%dma_wait3A_33 : memref<10000x128xf32, #tpu.memory_space<vmem_shared>>)
        tpu.yield
      }) : () -> ()
      %scan3A_29 = arith.constant 0 : i32
      scf.yield %scan3A_29 : i32
    }
    %scan3A_15 = arith.constant 125 : i32
    %barrier3A_16 = arith.constant 0 : index
    tpu.barrier barrier_id(%barrier3A_16)
    %scan3A_17 = arith.constant 0 : i32
    %scan3A_18 = arith.constant 0 : i32
    %scan3A_19 = arith.constant 8 : i32
    %scan3A_20 = arith.addi %scan3A_18, %scan3A_19 : i32
    %scan3A_21 = arith.constant 1 : i32
    %scan3A_22 = scf.for %scan3A_24 = %scan3A_18 to %scan3A_20 step %scan3A_21 iter_args(%scan3A_25 = %scan3A_17) -> (i32)  : i32 {
      %mul3A_26 = arith.constant 16 : i32
      %mul3A_27 = arith.muli %scan3A_24, %mul3A_26 : i32
      %add3A_28 = arith.addi %mul3A_27, %arg1 : i32
      %lt3A = arith.constant 125 : i32
      %lt3A_29 = arith.cmpi slt, %add3A_28, %lt3A : i32
      %convert_element_type3A = arith.extui %lt3A_29 : i1 to i32
      %cond3A = arith.constant 0 : i32
      %cond3A_30 = arith.cmpi ne, %convert_element_type3A, %cond3A : i32
      scf.if %cond3A_30 {
        %mul3A_32 = arith.constant 80 : i32
        %mul3A_33 = arith.muli %add3A_28, %mul3A_32 : i32
        "tpu.region"() ({
          %run_scoped3A = tpu.sem_alloc : memref<!tpu.dma_semaphore, #tpu.memory_space<semaphore_mem>>
          %dma_start3A = arith.constant 0 : i32
          %dma_start3A_36 = tpu.memref_slice %arg6[%mul3A_33, %dma_start3A] : memref<10000x128xf32, #tpu.memory_space<vmem_shared>> -> memref<80x128xf32, #tpu.memory_space<vmem_shared>>
          %dma_start3A_37 = arith.constant 0 : i32
          %dma_start3A_38 = tpu.memref_slice %arg6[%mul3A_33, %dma_start3A_37] : memref<10000x128xf32, #tpu.memory_space<vmem_shared>> -> memref<80x128xf32, #tpu.memory_space<vmem_shared>>
          tpu.enqueue_dma source(%dma_start3A_38 : memref<80x128xf32, #tpu.memory_space<vmem_shared>>) target(%arg7 : memref<80x128xf32, #tpu.memory_space<vmem>>) target_semaphore(%run_scoped3A : memref<!tpu.dma_semaphore, #tpu.memory_space<semaphore_mem>>)
          %dma_wait3A = arith.constant 0 : i32
          %dma_wait3A_39 = tpu.memref_slice %arg6[%mul3A_33, %dma_wait3A] : memref<10000x128xf32, #tpu.memory_space<vmem_shared>> -> memref<80x128xf32, #tpu.memory_space<vmem_shared>>
          %dma_wait3A_40 = arith.constant 0 : i32
          %dma_wait3A_41 = tpu.memref_slice %arg6[%mul3A_33, %dma_wait3A_40] : memref<10000x128xf32, #tpu.memory_space<vmem_shared>> -> memref<80x128xf32, #tpu.memory_space<vmem_shared>>
          tpu.wait_dma2 semaphore(%run_scoped3A : memref<!tpu.dma_semaphore, #tpu.memory_space<semaphore_mem>>) src(%dma_wait3A_41 : memref<80x128xf32, #tpu.memory_space<vmem_shared>>) dst(%arg7 : memref<80x128xf32, #tpu.memory_space<vmem>>)
          tpu.yield
        }) : () -> ()
        %mul3A_34 = arith.constant 80 : i32
        %mul3A_35 = arith.muli %add3A_28, %mul3A_34 : i32
        "tpu.region"() ({
          %run_scoped3A = tpu.sem_alloc : memref<!tpu.dma_semaphore, #tpu.memory_space<semaphore_mem>>
          %dma_start3A = arith.constant 0 : i32
          %dma_start3A_36 = tpu.memref_slice %arg5[%arg0, %mul3A_35, %dma_start3A] : memref<2x10000x128xf32, #tpu.memory_space<hbm>> -> memref<1x80x128xf32, #tpu.memory_space<hbm>>
          %dma_start3A_37 = tpu.memref_squeeze %dma_start3A_36 : memref<1x80x128xf32, #tpu.memory_space<hbm>> -> memref<80x128xf32, #tpu.memory_space<hbm>>
          %dma_start3A_38 = arith.constant 0 : i32
          %dma_start3A_39 = tpu.memref_slice %arg5[%arg0, %mul3A_35, %dma_start3A_38] : memref<2x10000x128xf32, #tpu.memory_space<hbm>> -> memref<1x80x128xf32, #tpu.memory_space<hbm>>
          %dma_start3A_40 = tpu.memref_squeeze %dma_start3A_39 : memref<1x80x128xf32, #tpu.memory_space<hbm>> -> memref<80x128xf32, #tpu.memory_space<hbm>>
          tpu.enqueue_dma source(%arg7 : memref<80x128xf32, #tpu.memory_space<vmem>>) target(%dma_start3A_40 : memref<80x128xf32, #tpu.memory_space<hbm>>) target_semaphore(%run_scoped3A : memref<!tpu.dma_semaphore, #tpu.memory_space<semaphore_mem>>)
          %dma_wait3A = arith.constant 0 : i32
          %dma_wait3A_41 = tpu.memref_slice %arg5[%arg0, %mul3A_35, %dma_wait3A] : memref<2x10000x128xf32, #tpu.memory_space<hbm>> -> memref<1x80x128xf32, #tpu.memory_space<hbm>>
          %dma_wait3A_42 = tpu.memref_squeeze %dma_wait3A_41 : memref<1x80x128xf32, #tpu.memory_space<hbm>> -> memref<80x128xf32, #tpu.memory_space<hbm>>
          %dma_wait3A_43 = arith.constant 0 : i32
          %dma_wait3A_44 = tpu.memref_slice %arg5[%arg0, %mul3A_35, %dma_wait3A_43] : memref<2x10000x128xf32, #tpu.memory_space<hbm>> -> memref<1x80x128xf32, #tpu.memory_space<hbm>>
          %dma_wait3A_45 = tpu.memref_squeeze %dma_wait3A_44 : memref<1x80x128xf32, #tpu.memory_space<hbm>> -> memref<80x128xf32, #tpu.memory_space<hbm>>
          tpu.wait_dma2 semaphore(%run_scoped3A : memref<!tpu.dma_semaphore, #tpu.memory_space<semaphore_mem>>) src(%arg7 : memref<80x128xf32, #tpu.memory_space<vmem>>) dst(%dma_wait3A_45 : memref<80x128xf32, #tpu.memory_space<hbm>>)
          tpu.yield
        }) : () -> ()
      } else {
      }
      %scan3A_31 = arith.constant 0 : i32
      scf.yield %scan3A_31 : i32
    }
    %scan3A_23 = arith.constant 8 : i32
    return
  }
}

#map = affine_map<(d0, d1) -> (0, 0)>
#map1 = affine_map<(d0, d1) -> (0)>
module attributes {stable_mosaic.version = 14 : i64} {
  func.func @k(%arg0: i32, %arg1: i32, %arg2: memref<10000x128xf32, #tpu.memory_space<hbm>>, %arg3: memref<10000x128xf32, #tpu.memory_space<hbm>>, %arg4: memref<320000xi32, #tpu.memory_space<hbm>>, %arg5: memref<320000xi32, #tpu.memory_space<hbm>>, %arg6: memref<320000x128xf32, #tpu.memory_space<hbm>>, %arg7: memref<320000x128xf32, #tpu.memory_space<hbm>>, %arg8: memref<10000xi32, #tpu.memory_space<vmem>>, %arg9: memref<10000xi32, #tpu.memory_space<vmem>>, %arg10: memref<80x128xf32, #tpu.memory_space<vmem>>, %arg11: memref<80x128xf32, #tpu.memory_space<vmem>>, %arg12: memref<80x128xf32, #tpu.memory_space<vmem>>, %arg13: memref<!tpu.dma_semaphore, #tpu.memory_space<semaphore_mem>>) attributes {dimension_semantics = [#tpu.dimension_semantics<core_parallel>, #tpu.dimension_semantics<subcore_parallel>], iteration_bounds = array<i64: 2, 16>, scalar_prefetch = 0 : i64, scratch_operands = 6 : i64, tpu.core_type = #tpu.core_type<sc_vector_subcore>, window_params = [{transform_indices = #map}, {transform_indices = #map}, {transform_indices = #map1}, {transform_indices = #map1}, {transform_indices = #map}, {transform_indices = #map}]} {
    %mul3A = arith.constant 2 : i32
    %mul3A_0 = arith.muli %arg1, %mul3A : i32
    %add3A = arith.addi %mul3A_0, %arg0 : i32
    %mul3A_1 = arith.constant 10000 : i32
    %mul3A_2 = arith.muli %add3A, %mul3A_1 : i32
    "tpu.region"() ({
      %run_scoped3A = tpu.sem_alloc : memref<!tpu.dma_semaphore, #tpu.memory_space<semaphore_mem>>
      %dma_start3A = tpu.memref_slice %arg4[%mul3A_2] : memref<320000xi32, #tpu.memory_space<hbm>> -> memref<10000xi32, #tpu.memory_space<hbm>>
      %dma_start3A_9 = tpu.memref_slice %arg4[%mul3A_2] : memref<320000xi32, #tpu.memory_space<hbm>> -> memref<10000xi32, #tpu.memory_space<hbm>>
      tpu.enqueue_dma source(%dma_start3A_9 : memref<10000xi32, #tpu.memory_space<hbm>>) target(%arg8 : memref<10000xi32, #tpu.memory_space<vmem>>) target_semaphore(%run_scoped3A : memref<!tpu.dma_semaphore, #tpu.memory_space<semaphore_mem>>)
      %dma_wait3A = tpu.memref_slice %arg4[%mul3A_2] : memref<320000xi32, #tpu.memory_space<hbm>> -> memref<10000xi32, #tpu.memory_space<hbm>>
      %dma_wait3A_10 = tpu.memref_slice %arg4[%mul3A_2] : memref<320000xi32, #tpu.memory_space<hbm>> -> memref<10000xi32, #tpu.memory_space<hbm>>
      tpu.wait_dma2 semaphore(%run_scoped3A : memref<!tpu.dma_semaphore, #tpu.memory_space<semaphore_mem>>) src(%dma_wait3A_10 : memref<10000xi32, #tpu.memory_space<hbm>>) dst(%arg8 : memref<10000xi32, #tpu.memory_space<vmem>>)
      tpu.yield
    }) : () -> ()
    "tpu.region"() ({
      %run_scoped3A = tpu.sem_alloc : memref<!tpu.dma_semaphore, #tpu.memory_space<semaphore_mem>>
      %dma_start3A = tpu.memref_slice %arg5[%mul3A_2] : memref<320000xi32, #tpu.memory_space<hbm>> -> memref<10000xi32, #tpu.memory_space<hbm>>
      %dma_start3A_9 = tpu.memref_slice %arg5[%mul3A_2] : memref<320000xi32, #tpu.memory_space<hbm>> -> memref<10000xi32, #tpu.memory_space<hbm>>
      tpu.enqueue_dma source(%dma_start3A_9 : memref<10000xi32, #tpu.memory_space<hbm>>) target(%arg9 : memref<10000xi32, #tpu.memory_space<vmem>>) target_semaphore(%run_scoped3A : memref<!tpu.dma_semaphore, #tpu.memory_space<semaphore_mem>>)
      %dma_wait3A = tpu.memref_slice %arg5[%mul3A_2] : memref<320000xi32, #tpu.memory_space<hbm>> -> memref<10000xi32, #tpu.memory_space<hbm>>
      %dma_wait3A_10 = tpu.memref_slice %arg5[%mul3A_2] : memref<320000xi32, #tpu.memory_space<hbm>> -> memref<10000xi32, #tpu.memory_space<hbm>>
      tpu.wait_dma2 semaphore(%run_scoped3A : memref<!tpu.dma_semaphore, #tpu.memory_space<semaphore_mem>>) src(%dma_wait3A_10 : memref<10000xi32, #tpu.memory_space<hbm>>) dst(%arg9 : memref<10000xi32, #tpu.memory_space<vmem>>)
      tpu.yield
    }) : () -> ()
    %scan3A = arith.constant 0 : i32
    %scan3A_3 = arith.constant 0 : i32
    %scan3A_4 = arith.constant 125 : i32
    %scan3A_5 = arith.addi %scan3A_3, %scan3A_4 : i32
    %scan3A_6 = arith.constant 1 : i32
    %scan3A_7 = scf.for %scan3A_9 = %scan3A_3 to %scan3A_5 step %scan3A_6 iter_args(%scan3A_10 = %scan3A) -> (i32)  : i32 {
      %mul3A_11 = arith.constant 80 : i32
      %mul3A_12 = arith.muli %scan3A_9, %mul3A_11 : i32
      %add3A_13 = arith.addi %mul3A_2, %mul3A_12 : i32
      %mul3A_14 = arith.constant 80 : i32
      %mul3A_15 = arith.muli %scan3A_9, %mul3A_14 : i32
      %dma_start3A = tpu.memref_slice %arg8[%mul3A_15] : memref<10000xi32, #tpu.memory_space<vmem>> -> memref<80xi32, #tpu.memory_space<vmem>>
      %dma_start3A_16 = arith.constant 0 : i32
      %dma_start3A_17 = arith.constant 0 : i32
      %dma_start3A_18 = tpu.memref_slice %arg2[%dma_start3A_16, %dma_start3A_17] : memref<10000x128xf32, #tpu.memory_space<hbm>> -> memref<10000x128xf32, #tpu.memory_space<hbm>>
      tpu.enqueue_indirect_dma source(%dma_start3A_18 : memref<10000x128xf32, #tpu.memory_space<hbm>>) target(%arg10 : memref<80x128xf32, #tpu.memory_space<vmem>>) offsets(%dma_start3A : memref<80xi32, #tpu.memory_space<vmem>>) semaphore(%arg13 : memref<!tpu.dma_semaphore, #tpu.memory_space<semaphore_mem>>)
      %dma_start3A_19 = tpu.memref_slice %arg8[%mul3A_15] : memref<10000xi32, #tpu.memory_space<vmem>> -> memref<80xi32, #tpu.memory_space<vmem>>
      %dma_start3A_20 = arith.constant 0 : i32
      %dma_start3A_21 = arith.constant 0 : i32
      %dma_start3A_22 = tpu.memref_slice %arg3[%dma_start3A_20, %dma_start3A_21] : memref<10000x128xf32, #tpu.memory_space<hbm>> -> memref<10000x128xf32, #tpu.memory_space<hbm>>
      tpu.enqueue_indirect_dma source(%dma_start3A_22 : memref<10000x128xf32, #tpu.memory_space<hbm>>) target(%arg11 : memref<80x128xf32, #tpu.memory_space<vmem>>) offsets(%dma_start3A_19 : memref<80xi32, #tpu.memory_space<vmem>>) semaphore(%arg13 : memref<!tpu.dma_semaphore, #tpu.memory_space<semaphore_mem>>)
      %dma_start3A_23 = tpu.memref_slice %arg9[%mul3A_15] : memref<10000xi32, #tpu.memory_space<vmem>> -> memref<80xi32, #tpu.memory_space<vmem>>
      %dma_start3A_24 = arith.constant 0 : i32
      %dma_start3A_25 = arith.constant 0 : i32
      %dma_start3A_26 = tpu.memref_slice %arg3[%dma_start3A_24, %dma_start3A_25] : memref<10000x128xf32, #tpu.memory_space<hbm>> -> memref<10000x128xf32, #tpu.memory_space<hbm>>
      tpu.enqueue_indirect_dma source(%dma_start3A_26 : memref<10000x128xf32, #tpu.memory_space<hbm>>) target(%arg12 : memref<80x128xf32, #tpu.memory_space<vmem>>) offsets(%dma_start3A_23 : memref<80xi32, #tpu.memory_space<vmem>>) semaphore(%arg13 : memref<!tpu.dma_semaphore, #tpu.memory_space<semaphore_mem>>)
      %dma_wait3A = tpu.memref_slice %arg8[%mul3A_15] : memref<10000xi32, #tpu.memory_space<vmem>> -> memref<80xi32, #tpu.memory_space<vmem>>
      %dma_wait3A_27 = arith.constant 0 : i32
      %dma_wait3A_28 = arith.constant 0 : i32
      %dma_wait3A_29 = tpu.memref_slice %arg2[%dma_wait3A_27, %dma_wait3A_28] : memref<10000x128xf32, #tpu.memory_space<hbm>> -> memref<10000x128xf32, #tpu.memory_space<hbm>>
      tpu.wait_indirect_dma semaphore(%arg13 : memref<!tpu.dma_semaphore, #tpu.memory_space<semaphore_mem>>) src(%dma_wait3A_29 : memref<10000x128xf32, #tpu.memory_space<hbm>>) dst(%arg10 : memref<80x128xf32, #tpu.memory_space<vmem>>)
      "tpu.region"() ({
        %run_scoped3A = tpu.sem_alloc : memref<!tpu.dma_semaphore, #tpu.memory_space<semaphore_mem>>
        %dma_start3A_46 = arith.constant 0 : i32
        %dma_start3A_47 = tpu.memref_slice %arg6[%add3A_13, %dma_start3A_46] : memref<320000x128xf32, #tpu.memory_space<hbm>> -> memref<80x128xf32, #tpu.memory_space<hbm>>
        %dma_start3A_48 = arith.constant 0 : i32
        %dma_start3A_49 = tpu.memref_slice %arg6[%add3A_13, %dma_start3A_48] : memref<320000x128xf32, #tpu.memory_space<hbm>> -> memref<80x128xf32, #tpu.memory_space<hbm>>
        tpu.enqueue_dma source(%arg10 : memref<80x128xf32, #tpu.memory_space<vmem>>) target(%dma_start3A_49 : memref<80x128xf32, #tpu.memory_space<hbm>>) target_semaphore(%run_scoped3A : memref<!tpu.dma_semaphore, #tpu.memory_space<semaphore_mem>>)
        %dma_wait3A_50 = arith.constant 0 : i32
        %dma_wait3A_51 = tpu.memref_slice %arg6[%add3A_13, %dma_wait3A_50] : memref<320000x128xf32, #tpu.memory_space<hbm>> -> memref<80x128xf32, #tpu.memory_space<hbm>>
        %dma_wait3A_52 = arith.constant 0 : i32
        %dma_wait3A_53 = tpu.memref_slice %arg6[%add3A_13, %dma_wait3A_52] : memref<320000x128xf32, #tpu.memory_space<hbm>> -> memref<80x128xf32, #tpu.memory_space<hbm>>
        tpu.wait_dma2 semaphore(%run_scoped3A : memref<!tpu.dma_semaphore, #tpu.memory_space<semaphore_mem>>) src(%arg10 : memref<80x128xf32, #tpu.memory_space<vmem>>) dst(%dma_wait3A_53 : memref<80x128xf32, #tpu.memory_space<hbm>>)
        tpu.yield
      }) : () -> ()
      %dma_wait3A_30 = tpu.memref_slice %arg8[%mul3A_15] : memref<10000xi32, #tpu.memory_space<vmem>> -> memref<80xi32, #tpu.memory_space<vmem>>
      %dma_wait3A_31 = arith.constant 0 : i32
      %dma_wait3A_32 = arith.constant 0 : i32
      %dma_wait3A_33 = tpu.memref_slice %arg3[%dma_wait3A_31, %dma_wait3A_32] : memref<10000x128xf32, #tpu.memory_space<hbm>> -> memref<10000x128xf32, #tpu.memory_space<hbm>>
      tpu.wait_indirect_dma semaphore(%arg13 : memref<!tpu.dma_semaphore, #tpu.memory_space<semaphore_mem>>) src(%dma_wait3A_33 : memref<10000x128xf32, #tpu.memory_space<hbm>>) dst(%arg11 : memref<80x128xf32, #tpu.memory_space<vmem>>)
      %dma_wait3A_34 = tpu.memref_slice %arg9[%mul3A_15] : memref<10000xi32, #tpu.memory_space<vmem>> -> memref<80xi32, #tpu.memory_space<vmem>>
      %dma_wait3A_35 = arith.constant 0 : i32
      %dma_wait3A_36 = arith.constant 0 : i32
      %dma_wait3A_37 = tpu.memref_slice %arg3[%dma_wait3A_35, %dma_wait3A_36] : memref<10000x128xf32, #tpu.memory_space<hbm>> -> memref<10000x128xf32, #tpu.memory_space<hbm>>
      tpu.wait_indirect_dma semaphore(%arg13 : memref<!tpu.dma_semaphore, #tpu.memory_space<semaphore_mem>>) src(%dma_wait3A_37 : memref<10000x128xf32, #tpu.memory_space<hbm>>) dst(%arg12 : memref<80x128xf32, #tpu.memory_space<vmem>>)
      %scan3A_38 = arith.constant 0 : i32
      %scan3A_39 = arith.constant 0 : i32
      %scan3A_40 = arith.constant 80 : i32
      %scan3A_41 = arith.addi %scan3A_39, %scan3A_40 : i32
      %scan3A_42 = arith.constant 1 : i32
      %scan3A_43 = scf.for %scan3A_46 = %scan3A_39 to %scan3A_41 step %scan3A_42 iter_args(%scan3A_47 = %scan3A_38) -> (i32)  : i32 {
        %get3A = arith.index_cast %scan3A_46 : i32 to index
        %get3A_48 = arith.constant 0 : index
        %get3A_49 = tpu.vector_load %arg12[%get3A, %get3A_48] {strides = array<i32>} : memref<80x128xf32, #tpu.memory_space<vmem>>, vector<1x16xf32>,
        %get3A_50 = vector.shape_cast %get3A_49 : vector<1x16xf32> to vector<16xf32>
        %get3A_51 = arith.index_cast %scan3A_46 : i32 to index
        %get3A_52 = arith.constant 0 : index
        %get3A_53 = tpu.vector_load %arg11[%get3A_51, %get3A_52] {strides = array<i32>} : memref<80x128xf32, #tpu.memory_space<vmem>>, vector<1x16xf32>,
        %get3A_54 = vector.shape_cast %get3A_53 : vector<1x16xf32> to vector<16xf32>
        %sub3A = arith.subf %get3A_50, %get3A_54 : vector<16xf32>
        %swap3A = arith.index_cast %scan3A_46 : i32 to index
        %swap3A_55 = arith.constant 0 : index
        %swap3A_56 = tpu.vector_load %arg12[%swap3A, %swap3A_55] {strides = array<i32>} : memref<80x128xf32, #tpu.memory_space<vmem>>, vector<1x16xf32>,
        %swap3A_57 = vector.shape_cast %swap3A_56 : vector<1x16xf32> to vector<16xf32>
        %swap3A_58 = vector.shape_cast %sub3A : vector<16xf32> to vector<1x16xf32>
        tpu.vector_store %arg12[%swap3A, %swap3A_55], %swap3A_58 {strides = array<i32>} : memref<80x128xf32, #tpu.memory_space<vmem>>, vector<1x16xf32>,
        %scan3A_59 = arith.constant 0 : i32
        scf.yield %scan3A_59 : i32
      }
      %scan3A_44 = arith.constant 80 : i32
      "tpu.region"() ({
        %run_scoped3A = tpu.sem_alloc : memref<!tpu.dma_semaphore, #tpu.memory_space<semaphore_mem>>
        %dma_start3A_46 = arith.constant 0 : i32
        %dma_start3A_47 = tpu.memref_slice %arg7[%add3A_13, %dma_start3A_46] : memref<320000x128xf32, #tpu.memory_space<hbm>> -> memref<80x128xf32, #tpu.memory_space<hbm>>
        %dma_start3A_48 = arith.constant 0 : i32
        %dma_start3A_49 = tpu.memref_slice %arg7[%add3A_13, %dma_start3A_48] : memref<320000x128xf32, #tpu.memory_space<hbm>> -> memref<80x128xf32, #tpu.memory_space<hbm>>
        tpu.enqueue_dma source(%arg12 : memref<80x128xf32, #tpu.memory_space<vmem>>) target(%dma_start3A_49 : memref<80x128xf32, #tpu.memory_space<hbm>>) target_semaphore(%run_scoped3A : memref<!tpu.dma_semaphore, #tpu.memory_space<semaphore_mem>>)
        %dma_wait3A_50 = arith.constant 0 : i32
        %dma_wait3A_51 = tpu.memref_slice %arg7[%add3A_13, %dma_wait3A_50] : memref<320000x128xf32, #tpu.memory_space<hbm>> -> memref<80x128xf32, #tpu.memory_space<hbm>>
        %dma_wait3A_52 = arith.constant 0 : i32
        %dma_wait3A_53 = tpu.memref_slice %arg7[%add3A_13, %dma_wait3A_52] : memref<320000x128xf32, #tpu.memory_space<hbm>> -> memref<80x128xf32, #tpu.memory_space<hbm>>
        tpu.wait_dma2 semaphore(%run_scoped3A : memref<!tpu.dma_semaphore, #tpu.memory_space<semaphore_mem>>) src(%arg12 : memref<80x128xf32, #tpu.memory_space<vmem>>) dst(%dma_wait3A_53 : memref<80x128xf32, #tpu.memory_space<hbm>>)
        tpu.yield
      }) : () -> ()
      %scan3A_45 = arith.constant 0 : i32
      scf.yield %scan3A_45 : i32
    }
    %scan3A_8 = arith.constant 125 : i32
    return
  }
}

#map = affine_map<(d0, d1) -> (0, 0)>
#map1 = affine_map<(d0, d1) -> (0)>
#map2 = affine_map<(d0, d1) -> (0, 0, 0)>
module attributes {stable_mosaic.version = 14 : i64} {
  func.func @k(%arg0: i32, %arg1: i32, %arg2: memref<320000x128xf32, #tpu.memory_space<hbm>>, %arg3: memref<320000xi32, #tpu.memory_space<hbm>>, %arg4: memref<80x128xf32, #tpu.memory_space<hbm>>, %arg5: memref<2x10000x128xf32, #tpu.memory_space<hbm>>, %arg6: memref<10000x128xf32, #tpu.memory_space<vmem_shared>>, %arg7: memref<80x128xf32, #tpu.memory_space<vmem>>, %arg8: memref<80xi32, #tpu.memory_space<vmem>>) attributes {dimension_semantics = [#tpu.dimension_semantics<core_parallel>, #tpu.dimension_semantics<subcore_parallel>], iteration_bounds = array<i64: 2, 16>, scalar_prefetch = 0 : i64, scratch_operands = 3 : i64, tpu.core_type = #tpu.core_type<sc_vector_subcore>, window_params = [{transform_indices = #map}, {transform_indices = #map1}, {transform_indices = #map}, {transform_indices = #map2}]} {
    "tpu.region"() ({
      %run_scoped3A = tpu.sem_alloc : memref<!tpu.dma_semaphore, #tpu.memory_space<semaphore_mem>>
      tpu.enqueue_dma source(%arg4 : memref<80x128xf32, #tpu.memory_space<hbm>>) target(%arg7 : memref<80x128xf32, #tpu.memory_space<vmem>>) target_semaphore(%run_scoped3A : memref<!tpu.dma_semaphore, #tpu.memory_space<semaphore_mem>>)
      tpu.wait_dma2 semaphore(%run_scoped3A : memref<!tpu.dma_semaphore, #tpu.memory_space<semaphore_mem>>) src(%arg4 : memref<80x128xf32, #tpu.memory_space<hbm>>) dst(%arg7 : memref<80x128xf32, #tpu.memory_space<vmem>>)
      tpu.yield
    }) : () -> ()
    %scan3A = arith.constant 0 : i32
    %scan3A_0 = arith.constant 0 : i32
    %scan3A_1 = arith.constant 8 : i32
    %scan3A_2 = arith.addi %scan3A_0, %scan3A_1 : i32
    %scan3A_3 = arith.constant 1 : i32
    %scan3A_4 = scf.for %scan3A_24 = %scan3A_0 to %scan3A_2 step %scan3A_3 iter_args(%scan3A_25 = %scan3A) -> (i32)  : i32 {
      %mul3A_26 = arith.constant 16 : i32
      %mul3A_27 = arith.muli %scan3A_24, %mul3A_26 : i32
      %add3A_28 = arith.addi %mul3A_27, %arg1 : i32
      %lt3A = arith.constant 125 : i32
      %lt3A_29 = arith.cmpi slt, %add3A_28, %lt3A : i32
      %convert_element_type3A = arith.extui %lt3A_29 : i1 to i32
      %cond3A = arith.constant 0 : i32
      %cond3A_30 = arith.cmpi ne, %convert_element_type3A, %cond3A : i32
      scf.if %cond3A_30 {
        %mul3A_32 = arith.constant 80 : i32
        %mul3A_33 = arith.muli %add3A_28, %mul3A_32 : i32
        "tpu.region"() ({
          %run_scoped3A = tpu.sem_alloc : memref<!tpu.dma_semaphore, #tpu.memory_space<semaphore_mem>>
          %dma_start3A = arith.constant 0 : i32
          %dma_start3A_34 = tpu.memref_slice %arg6[%mul3A_33, %dma_start3A] : memref<10000x128xf32, #tpu.memory_space<vmem_shared>> -> memref<80x128xf32, #tpu.memory_space<vmem_shared>>
          %dma_start3A_35 = arith.constant 0 : i32
          %dma_start3A_36 = tpu.memref_slice %arg6[%mul3A_33, %dma_start3A_35] : memref<10000x128xf32, #tpu.memory_space<vmem_shared>> -> memref<80x128xf32, #tpu.memory_space<vmem_shared>>
          tpu.enqueue_dma source(%arg7 : memref<80x128xf32, #tpu.memory_space<vmem>>) target(%dma_start3A_36 : memref<80x128xf32, #tpu.memory_space<vmem_shared>>) target_semaphore(%run_scoped3A : memref<!tpu.dma_semaphore, #tpu.memory_space<semaphore_mem>>)
          %dma_wait3A = arith.constant 0 : i32
          %dma_wait3A_37 = tpu.memref_slice %arg6[%mul3A_33, %dma_wait3A] : memref<10000x128xf32, #tpu.memory_space<vmem_shared>> -> memref<80x128xf32, #tpu.memory_space<vmem_shared>>
          %dma_wait3A_38 = arith.constant 0 : i32
          %dma_wait3A_39 = tpu.memref_slice %arg6[%mul3A_33, %dma_wait3A_38] : memref<10000x128xf32, #tpu.memory_space<vmem_shared>> -> memref<80x128xf32, #tpu.memory_space<vmem_shared>>
          tpu.wait_dma2 semaphore(%run_scoped3A : memref<!tpu.dma_semaphore, #tpu.memory_space<semaphore_mem>>) src(%arg7 : memref<80x128xf32, #tpu.memory_space<vmem>>) dst(%dma_wait3A_39 : memref<80x128xf32, #tpu.memory_space<vmem_shared>>)
          tpu.yield
        }) : () -> ()
      } else {
      }
      %scan3A_31 = arith.constant 0 : i32
      scf.yield %scan3A_31 : i32
    }
    %scan3A_5 = arith.constant 8 : i32
    %barrier3A = arith.constant 0 : index
    tpu.barrier barrier_id(%barrier3A)
    %mul3A = arith.constant 2 : i32
    %mul3A_6 = arith.muli %arg1, %mul3A : i32
    %add3A = arith.addi %mul3A_6, %arg0 : i32
    %mul3A_7 = arith.constant 10000 : i32
    %mul3A_8 = arith.muli %add3A, %mul3A_7 : i32
    %scan3A_9 = arith.constant 0 : i32
    %scan3A_10 = arith.constant 0 : i32
    %scan3A_11 = arith.constant 125 : i32
    %scan3A_12 = arith.addi %scan3A_10, %scan3A_11 : i32
    %scan3A_13 = arith.constant 1 : i32
    %scan3A_14 = scf.for %scan3A_24 = %scan3A_10 to %scan3A_12 step %scan3A_13 iter_args(%scan3A_25 = %scan3A_9) -> (i32)  : i32 {
      %mul3A_26 = arith.constant 80 : i32
      %mul3A_27 = arith.muli %scan3A_24, %mul3A_26 : i32
      %add3A_28 = arith.addi %mul3A_8, %mul3A_27 : i32
      "tpu.region"() ({
        %run_scoped3A = tpu.sem_alloc : memref<!tpu.dma_semaphore, #tpu.memory_space<semaphore_mem>>
        %dma_start3A = tpu.memref_slice %arg3[%add3A_28] : memref<320000xi32, #tpu.memory_space<hbm>> -> memref<80xi32, #tpu.memory_space<hbm>>
        %dma_start3A_30 = tpu.memref_slice %arg3[%add3A_28] : memref<320000xi32, #tpu.memory_space<hbm>> -> memref<80xi32, #tpu.memory_space<hbm>>
        tpu.enqueue_dma source(%dma_start3A_30 : memref<80xi32, #tpu.memory_space<hbm>>) target(%arg8 : memref<80xi32, #tpu.memory_space<vmem>>) target_semaphore(%run_scoped3A : memref<!tpu.dma_semaphore, #tpu.memory_space<semaphore_mem>>)
        %dma_wait3A = tpu.memref_slice %arg3[%add3A_28] : memref<320000xi32, #tpu.memory_space<hbm>> -> memref<80xi32, #tpu.memory_space<hbm>>
        %dma_wait3A_31 = tpu.memref_slice %arg3[%add3A_28] : memref<320000xi32, #tpu.memory_space<hbm>> -> memref<80xi32, #tpu.memory_space<hbm>>
        tpu.wait_dma2 semaphore(%run_scoped3A : memref<!tpu.dma_semaphore, #tpu.memory_space<semaphore_mem>>) src(%dma_wait3A_31 : memref<80xi32, #tpu.memory_space<hbm>>) dst(%arg8 : memref<80xi32, #tpu.memory_space<vmem>>)
        tpu.yield
      }) : () -> ()
      "tpu.region"() ({
        %run_scoped3A = tpu.sem_alloc : memref<!tpu.dma_semaphore, #tpu.memory_space<semaphore_mem>>
        %dma_start3A = arith.constant 0 : i32
        %dma_start3A_30 = tpu.memref_slice %arg2[%add3A_28, %dma_start3A] : memref<320000x128xf32, #tpu.memory_space<hbm>> -> memref<80x128xf32, #tpu.memory_space<hbm>>
        %dma_start3A_31 = arith.constant 0 : i32
        %dma_start3A_32 = tpu.memref_slice %arg2[%add3A_28, %dma_start3A_31] : memref<320000x128xf32, #tpu.memory_space<hbm>> -> memref<80x128xf32, #tpu.memory_space<hbm>>
        tpu.enqueue_dma source(%dma_start3A_32 : memref<80x128xf32, #tpu.memory_space<hbm>>) target(%arg7 : memref<80x128xf32, #tpu.memory_space<vmem>>) target_semaphore(%run_scoped3A : memref<!tpu.dma_semaphore, #tpu.memory_space<semaphore_mem>>)
        %dma_wait3A = arith.constant 0 : i32
        %dma_wait3A_33 = tpu.memref_slice %arg2[%add3A_28, %dma_wait3A] : memref<320000x128xf32, #tpu.memory_space<hbm>> -> memref<80x128xf32, #tpu.memory_space<hbm>>
        %dma_wait3A_34 = arith.constant 0 : i32
        %dma_wait3A_35 = tpu.memref_slice %arg2[%add3A_28, %dma_wait3A_34] : memref<320000x128xf32, #tpu.memory_space<hbm>> -> memref<80x128xf32, #tpu.memory_space<hbm>>
        tpu.wait_dma2 semaphore(%run_scoped3A : memref<!tpu.dma_semaphore, #tpu.memory_space<semaphore_mem>>) src(%dma_wait3A_35 : memref<80x128xf32, #tpu.memory_space<hbm>>) dst(%arg7 : memref<80x128xf32, #tpu.memory_space<vmem>>)
        tpu.yield
      }) : () -> ()
      "tpu.region"() ({
        %run_scoped3A = tpu.sem_alloc : memref<!tpu.dma_semaphore, #tpu.memory_space<semaphore_mem>>
        %dma_start3A = arith.constant 0 : i32
        %dma_start3A_30 = arith.constant 0 : i32
        %dma_start3A_31 = tpu.memref_slice %arg6[%dma_start3A, %dma_start3A_30] : memref<10000x128xf32, #tpu.memory_space<vmem_shared>> -> memref<10000x128xf32, #tpu.memory_space<vmem_shared>>
        tpu.enqueue_indirect_dma source(%arg7 : memref<80x128xf32, #tpu.memory_space<vmem>>) target(%dma_start3A_31 : memref<10000x128xf32, #tpu.memory_space<vmem_shared>>) offsets(%arg8 : memref<80xi32, #tpu.memory_space<vmem>>) semaphore(%run_scoped3A : memref<!tpu.dma_semaphore, #tpu.memory_space<semaphore_mem>>) {add = true}
        %dma_wait3A = arith.constant 0 : i32
        %dma_wait3A_32 = arith.constant 0 : i32
        %dma_wait3A_33 = tpu.memref_slice %arg6[%dma_wait3A, %dma_wait3A_32] : memref<10000x128xf32, #tpu.memory_space<vmem_shared>> -> memref<10000x128xf32, #tpu.memory_space<vmem_shared>>
        tpu.wait_indirect_dma semaphore(%run_scoped3A : memref<!tpu.dma_semaphore, #tpu.memory_space<semaphore_mem>>) src(%arg7 : memref<80x128xf32, #tpu.memory_space<vmem>>) dst(%dma_wait3A_33 : memref<10000x128xf32, #tpu.memory_space<vmem_shared>>)
        tpu.yield
      }) : () -> ()
      %scan3A_29 = arith.constant 0 : i32
      scf.yield %scan3A_29 : i32
    }
    %scan3A_15 = arith.constant 125 : i32
    %barrier3A_16 = arith.constant 0 : index
    tpu.barrier barrier_id(%barrier3A_16)
    %scan3A_17 = arith.constant 0 : i32
    %scan3A_18 = arith.constant 0 : i32
    %scan3A_19 = arith.constant 8 : i32
    %scan3A_20 = arith.addi %scan3A_18, %scan3A_19 : i32
    %scan3A_21 = arith.constant 1 : i32
    %scan3A_22 = scf.for %scan3A_24 = %scan3A_18 to %scan3A_20 step %scan3A_21 iter_args(%scan3A_25 = %scan3A_17) -> (i32)  : i32 {
      %mul3A_26 = arith.constant 16 : i32
      %mul3A_27 = arith.muli %scan3A_24, %mul3A_26 : i32
      %add3A_28 = arith.addi %mul3A_27, %arg1 : i32
      %lt3A = arith.constant 125 : i32
      %lt3A_29 = arith.cmpi slt, %add3A_28, %lt3A : i32
      %convert_element_type3A = arith.extui %lt3A_29 : i1 to i32
      %cond3A = arith.constant 0 : i32
      %cond3A_30 = arith.cmpi ne, %convert_element_type3A, %cond3A : i32
      scf.if %cond3A_30 {
        %mul3A_32 = arith.constant 80 : i32
        %mul3A_33 = arith.muli %add3A_28, %mul3A_32 : i32
        "tpu.region"() ({
          %run_scoped3A = tpu.sem_alloc : memref<!tpu.dma_semaphore, #tpu.memory_space<semaphore_mem>>
          %dma_start3A = arith.constant 0 : i32
          %dma_start3A_36 = tpu.memref_slice %arg6[%mul3A_33, %dma_start3A] : memref<10000x128xf32, #tpu.memory_space<vmem_shared>> -> memref<80x128xf32, #tpu.memory_space<vmem_shared>>
          %dma_start3A_37 = arith.constant 0 : i32
          %dma_start3A_38 = tpu.memref_slice %arg6[%mul3A_33, %dma_start3A_37] : memref<10000x128xf32, #tpu.memory_space<vmem_shared>> -> memref<80x128xf32, #tpu.memory_space<vmem_shared>>
          tpu.enqueue_dma source(%dma_start3A_38 : memref<80x128xf32, #tpu.memory_space<vmem_shared>>) target(%arg7 : memref<80x128xf32, #tpu.memory_space<vmem>>) target_semaphore(%run_scoped3A : memref<!tpu.dma_semaphore, #tpu.memory_space<semaphore_mem>>)
          %dma_wait3A = arith.constant 0 : i32
          %dma_wait3A_39 = tpu.memref_slice %arg6[%mul3A_33, %dma_wait3A] : memref<10000x128xf32, #tpu.memory_space<vmem_shared>> -> memref<80x128xf32, #tpu.memory_space<vmem_shared>>
          %dma_wait3A_40 = arith.constant 0 : i32
          %dma_wait3A_41 = tpu.memref_slice %arg6[%mul3A_33, %dma_wait3A_40] : memref<10000x128xf32, #tpu.memory_space<vmem_shared>> -> memref<80x128xf32, #tpu.memory_space<vmem_shared>>
          tpu.wait_dma2 semaphore(%run_scoped3A : memref<!tpu.dma_semaphore, #tpu.memory_space<semaphore_mem>>) src(%dma_wait3A_41 : memref<80x128xf32, #tpu.memory_space<vmem_shared>>) dst(%arg7 : memref<80x128xf32, #tpu.memory_space<vmem>>)
          tpu.yield
        }) : () -> ()
        %mul3A_34 = arith.constant 80 : i32
        %mul3A_35 = arith.muli %add3A_28, %mul3A_34 : i32
        "tpu.region"() ({
          %run_scoped3A = tpu.sem_alloc : memref<!tpu.dma_semaphore, #tpu.memory_space<semaphore_mem>>
          %dma_start3A = arith.constant 0 : i32
          %dma_start3A_36 = tpu.memref_slice %arg5[%arg0, %mul3A_35, %dma_start3A] : memref<2x10000x128xf32, #tpu.memory_space<hbm>> -> memref<1x80x128xf32, #tpu.memory_space<hbm>>
          %dma_start3A_37 = tpu.memref_squeeze %dma_start3A_36 : memref<1x80x128xf32, #tpu.memory_space<hbm>> -> memref<80x128xf32, #tpu.memory_space<hbm>>
          %dma_start3A_38 = arith.constant 0 : i32
          %dma_start3A_39 = tpu.memref_slice %arg5[%arg0, %mul3A_35, %dma_start3A_38] : memref<2x10000x128xf32, #tpu.memory_space<hbm>> -> memref<1x80x128xf32, #tpu.memory_space<hbm>>
          %dma_start3A_40 = tpu.memref_squeeze %dma_start3A_39 : memref<1x80x128xf32, #tpu.memory_space<hbm>> -> memref<80x128xf32, #tpu.memory_space<hbm>>
          tpu.enqueue_dma source(%arg7 : memref<80x128xf32, #tpu.memory_space<vmem>>) target(%dma_start3A_40 : memref<80x128xf32, #tpu.memory_space<hbm>>) target_semaphore(%run_scoped3A : memref<!tpu.dma_semaphore, #tpu.memory_space<semaphore_mem>>)
          %dma_wait3A = arith.constant 0 : i32
          %dma_wait3A_41 = tpu.memref_slice %arg5[%arg0, %mul3A_35, %dma_wait3A] : memref<2x10000x128xf32, #tpu.memory_space<hbm>> -> memref<1x80x128xf32, #tpu.memory_space<hbm>>
          %dma_wait3A_42 = tpu.memref_squeeze %dma_wait3A_41 : memref<1x80x128xf32, #tpu.memory_space<hbm>> -> memref<80x128xf32, #tpu.memory_space<hbm>>
          %dma_wait3A_43 = arith.constant 0 : i32
          %dma_wait3A_44 = tpu.memref_slice %arg5[%arg0, %mul3A_35, %dma_wait3A_43] : memref<2x10000x128xf32, #tpu.memory_space<hbm>> -> memref<1x80x128xf32, #tpu.memory_space<hbm>>
          %dma_wait3A_45 = tpu.memref_squeeze %dma_wait3A_44 : memref<1x80x128xf32, #tpu.memory_space<hbm>> -> memref<80x128xf32, #tpu.memory_space<hbm>>
          tpu.wait_dma2 semaphore(%run_scoped3A : memref<!tpu.dma_semaphore, #tpu.memory_space<semaphore_mem>>) src(%arg7 : memref<80x128xf32, #tpu.memory_space<vmem>>) dst(%dma_wait3A_45 : memref<80x128xf32, #tpu.memory_space<hbm>>)
          tpu.yield
        }) : () -> ()
      } else {
      }
      %scan3A_31 = arith.constant 0 : i32
      scf.yield %scan3A_31 : i32
    }
    %scan3A_23 = arith.constant 8 : i32
    return
  }
}

module attributes {stable_mosaic.version = 14 : i64} {
  func.func @body(%arg0: i32, %arg1: memref<2000x128xf32, #tpu.memory_space<vmem>>, %arg2: memref<320x128xf32, #tpu.memory_space<vmem>>, %arg3: memref<1x128xf32, #tpu.memory_space<vmem>>, %arg4: memref<128x128xf32, #tpu.memory_space<vmem>>, %arg5: memref<1x128xf32, #tpu.memory_space<vmem>>, %arg6: memref<2000x128xf32, #tpu.memory_space<vmem>>, %arg7: memref<2000x128xf32, #tpu.memory_space<vmem>>) attributes {dimension_semantics = [#tpu.dimension_semantics<arbitrary>], iteration_bounds = array<i64: 5>, scalar_prefetch = 0 : i64, scratch_operands = 0 : i64, tpu.core_type = #tpu.core_type<tc>, window_params = [{transform_indices = @transform_0, window_bounds = array<i64: 2000, 128>}, {pipeline_mode = #tpu.pipeline_mode<synchronous>, transform_indices = @transform_1, window_bounds = array<i64: 320, 128>}, {pipeline_mode = #tpu.pipeline_mode<synchronous>, transform_indices = @transform_2, window_bounds = array<i64: 1, 128>}, {pipeline_mode = #tpu.pipeline_mode<synchronous>, transform_indices = @transform_3, window_bounds = array<i64: 128, 128>}, {pipeline_mode = #tpu.pipeline_mode<synchronous>, transform_indices = @transform_4, window_bounds = array<i64: 1, 128>}, {transform_indices = @transform_5, window_bounds = array<i64: 2000, 128>}, {transform_indices = @transform_6, window_bounds = array<i64: 2000, 128>}]} {
    %get3A = arith.constant 0 : index
    %get3A_0 = arith.constant 0 : index
    %get3A_1 = vector.load %arg4[%get3A, %get3A_0] : memref<128x128xf32, #tpu.memory_space<vmem>>, vector<128x128xf32>
    %get3A_2 = arith.constant 0 : index
    %get3A_3 = arith.constant 0 : index
    %get3A_4 = vector.load %arg2[%get3A_2, %get3A_3] : memref<320x128xf32, #tpu.memory_space<vmem>>, vector<128x128xf32>
    %dot_general3A = arith.constant dense<0.000000e+00> : vector<128x128xf32>
    %dot_general3A_5 = tpu.matmul %get3A_4, %get3A_1, %dot_general3A {dimension_numbers = #tpu.dot_dimension_numbers<[1], [0], [0], [1], [0, 0, 1, 1], [], []>, transpose_lhs_hint = false} : vector<128x128xf32>, vector<128x128xf32>, vector<128x128xf32> -> vector<128x128xf32>
    %get3A_6 = arith.constant 128 : index
    %get3A_7 = arith.constant 0 : index
    %get3A_8 = vector.load %arg2[%get3A_6, %get3A_7] : memref<320x128xf32, #tpu.memory_space<vmem>>, vector<128x128xf32>
    %dot_general3A_9 = arith.constant dense<0.000000e+00> : vector<128x128xf32>
    %dot_general3A_10 = tpu.matmul %get3A_8, %get3A_1, %dot_general3A_9 {dimension_numbers = #tpu.dot_dimension_numbers<[1], [0], [0], [1], [0, 0, 1, 1], [], []>, transpose_lhs_hint = false} : vector<128x128xf32>, vector<128x128xf32>, vector<128x128xf32> -> vector<128x128xf32>
    %get3A_11 = arith.constant 0 : index
    %get3A_12 = arith.constant 0 : index
    %get3A_13 = vector.load %arg3[%get3A_11, %get3A_12] : memref<1x128xf32, #tpu.memory_space<vmem>>, vector<1x128xf32>
    %dot_general3A_14 = arith.constant dense<0.000000e+00> : vector<1x128xf32>
    %dot_general3A_15 = tpu.matmul %get3A_13, %get3A_1, %dot_general3A_14 {dimension_numbers = #tpu.dot_dimension_numbers<[1], [0], [0], [1], [0, 0, 1, 1], [], []>, transpose_lhs_hint = false} : vector<1x128xf32>, vector<128x128xf32>, vector<1x128xf32> -> vector<1x128xf32>
    %get3A_16 = arith.constant 0 : index
    %get3A_17 = arith.constant 0 : index
    %get3A_18 = vector.load %arg5[%get3A_16, %get3A_17] : memref<1x128xf32, #tpu.memory_space<vmem>>, vector<1x128xf32>
    %add3A = arith.addf %dot_general3A_15, %get3A_18 : vector<1x128xf32>
    %get3A_19 = arith.constant 0 : index
    %get3A_20 = arith.constant 0 : index
    %get3A_21 = vector.load %arg1[%get3A_19, %get3A_20] : memref<2000x128xf32, #tpu.memory_space<vmem>>, vector<2000x128xf32>
    %dot_general3A_22 = arith.constant dense<0.000000e+00> : vector<2000x128xf32>
    %dot_general3A_23 = tpu.matmul %get3A_21, %dot_general3A_5, %dot_general3A_22 {dimension_numbers = #tpu.dot_dimension_numbers<[1], [0], [0], [1], [0, 0, 1, 1], [], []>, transpose_lhs_hint = false} : vector<2000x128xf32>, vector<128x128xf32>, vector<2000x128xf32> -> vector<2000x128xf32>
    %swap3A = arith.constant 0 : index
    %swap3A_24 = arith.constant 0 : index
    %swap3A_25 = vector.load %arg6[%swap3A, %swap3A_24] : memref<2000x128xf32, #tpu.memory_space<vmem>>, vector<2000x128xf32>
    tpu.vector_store %arg6[%swap3A, %swap3A_24], %dot_general3A_23 {strides = array<i32>} : memref<2000x128xf32, #tpu.memory_space<vmem>>, vector<2000x128xf32>,
    %dot_general3A_26 = arith.constant dense<0.000000e+00> : vector<2000x128xf32>
    %dot_general3A_27 = tpu.matmul %get3A_21, %dot_general3A_10, %dot_general3A_26 {dimension_numbers = #tpu.dot_dimension_numbers<[1], [0], [0], [1], [0, 0, 1, 1], [], []>, transpose_lhs_hint = false} : vector<2000x128xf32>, vector<128x128xf32>, vector<2000x128xf32> -> vector<2000x128xf32>
    %add3A_28 = vector.broadcast %add3A : vector<1x128xf32> to vector<2000x128xf32>
    %add3A_29 = arith.addf %dot_general3A_27, %add3A_28 : vector<2000x128xf32>
    %swap3A_30 = arith.constant 0 : index
    %swap3A_31 = arith.constant 0 : index
    %swap3A_32 = vector.load %arg7[%swap3A_30, %swap3A_31] : memref<2000x128xf32, #tpu.memory_space<vmem>>, vector<2000x128xf32>
    tpu.vector_store %arg7[%swap3A_30, %swap3A_31], %add3A_29 {strides = array<i32>} : memref<2000x128xf32, #tpu.memory_space<vmem>>, vector<2000x128xf32>,
    return
  }
  func.func @transform_0(%arg0: i32) -> (i32, i32) {
    %c0_i32 = arith.constant 0 : i32
    %c0_i32_0 = arith.constant 0 : i32
    return %arg0, %c0_i32 : i32, i32
  }
  func.func @transform_1(%arg0: i32) -> (i32, i32) {
    %c0_i32 = arith.constant 0 : i32
    %c0_i32_0 = arith.constant 0 : i32
    %c0_i32_1 = arith.constant 0 : i32
    return %c0_i32, %c0_i32_0 : i32, i32
  }
  func.func @transform_2(%arg0: i32) -> (i32, i32) {
    %c0_i32 = arith.constant 0 : i32
    %c0_i32_0 = arith.constant 0 : i32
    %c0_i32_1 = arith.constant 0 : i32
    return %c0_i32, %c0_i32_0 : i32, i32
  }
  func.func @transform_3(%arg0: i32) -> (i32, i32) {
    %c0_i32 = arith.constant 0 : i32
    %c0_i32_0 = arith.constant 0 : i32
    %c0_i32_1 = arith.constant 0 : i32
    return %c0_i32, %c0_i32_0 : i32, i32
  }
  func.func @transform_4(%arg0: i32) -> (i32, i32) {
    %c0_i32 = arith.constant 0 : i32
    %c0_i32_0 = arith.constant 0 : i32
    %c0_i32_1 = arith.constant 0 : i32
    return %c0_i32, %c0_i32_0 : i32, i32
  }
  func.func @transform_5(%arg0: i32) -> (i32, i32) {
    %c0_i32 = arith.constant 0 : i32
    %c0_i32_0 = arith.constant 0 : i32
    return %arg0, %c0_i32 : i32, i32
  }
  func.func @transform_6(%arg0: i32) -> (i32, i32) {
    %c0_i32 = arith.constant 0 : i32
    %c0_i32_0 = arith.constant 0 : i32
    return %arg0, %c0_i32 : i32, i32
  }
}

module attributes {stable_mosaic.version = 14 : i64} {
  func.func @body(%arg0: i32, %arg1: memref<3200x128xf32, #tpu.memory_space<vmem>>, %arg2: memref<3200x128xf32, #tpu.memory_space<vmem>>, %arg3: memref<64x128xf32, #tpu.memory_space<vmem>>, %arg4: memref<128x128xf32, #tpu.memory_space<vmem>>, %arg5: memref<64x64xf32, #tpu.memory_space<vmem>>, %arg6: memref<1x64xf32, #tpu.memory_space<vmem>>, %arg7: memref<64x64xf32, #tpu.memory_space<vmem>>, %arg8: memref<1x64xf32, #tpu.memory_space<vmem>>, %arg9: memref<64x8xf32, #tpu.memory_space<vmem>>, %arg10: memref<1x8xf32, #tpu.memory_space<vmem>>, %arg11: memref<64x64xf32, #tpu.memory_space<vmem>>, %arg12: memref<1x64xf32, #tpu.memory_space<vmem>>, %arg13: memref<64x64xf32, #tpu.memory_space<vmem>>, %arg14: memref<1x64xf32, #tpu.memory_space<vmem>>, %arg15: memref<64x8xf32, #tpu.memory_space<vmem>>, %arg16: memref<1x8xf32, #tpu.memory_space<vmem>>, %arg17: memref<3200x128xf32, #tpu.memory_space<vmem>>, %arg18: memref<3200x128xf32, #tpu.memory_space<vmem>>) attributes {dimension_semantics = [#tpu.dimension_semantics<arbitrary>], iteration_bounds = array<i64: 100>, scalar_prefetch = 0 : i64, scratch_operands = 0 : i64, tpu.core_type = #tpu.core_type<tc>, window_params = [{transform_indices = @transform_0, window_bounds = array<i64: 3200, 128>}, {transform_indices = @transform_1, window_bounds = array<i64: 3200, 128>}, {transform_indices = @transform_2, window_bounds = array<i64: 64, 128>}, {pipeline_mode = #tpu.pipeline_mode<synchronous>, transform_indices = @transform_3, window_bounds = array<i64: 128, 128>}, {pipeline_mode = #tpu.pipeline_mode<synchronous>, transform_indices = @transform_4, window_bounds = array<i64: 64, 64>}, {pipeline_mode = #tpu.pipeline_mode<synchronous>, transform_indices = @transform_5, window_bounds = array<i64: 1, 64>}, {pipeline_mode = #tpu.pipeline_mode<synchronous>, transform_indices = @transform_6, window_bounds = array<i64: 64, 64>}, {pipeline_mode = #tpu.pipeline_mode<synchronous>, transform_indices = @transform_7, window_bounds = array<i64: 1, 64>}, {pipeline_mode = #tpu.pipeline_mode<synchronous>, transform_indices = @transform_8, window_bounds = array<i64: 64, 8>}, {pipeline_mode = #tpu.pipeline_mode<synchronous>, transform_indices = @transform_9, window_bounds = array<i64: 1, 8>}, {pipeline_mode = #tpu.pipeline_mode<synchronous>, transform_indices = @transform_10, window_bounds = array<i64: 64, 64>}, {pipeline_mode = #tpu.pipeline_mode<synchronous>, transform_indices = @transform_11, window_bounds = array<i64: 1, 64>}, {pipeline_mode = #tpu.pipeline_mode<synchronous>, transform_indices = @transform_12, window_bounds = array<i64: 64, 64>}, {pipeline_mode = #tpu.pipeline_mode<synchronous>, transform_indices = @transform_13, window_bounds = array<i64: 1, 64>}, {pipeline_mode = #tpu.pipeline_mode<synchronous>, transform_indices = @transform_14, window_bounds = array<i64: 64, 8>}, {pipeline_mode = #tpu.pipeline_mode<synchronous>, transform_indices = @transform_15, window_bounds = array<i64: 1, 8>}, {transform_indices = @transform_16, window_bounds = array<i64: 3200, 128>}, {transform_indices = @transform_17, window_bounds = array<i64: 3200, 128>}]} {
    %get3A = arith.constant 0 : index
    %get3A_0 = arith.constant 0 : index
    %get3A_1 = vector.load %arg1[%get3A, %get3A_0] : memref<3200x128xf32, #tpu.memory_space<vmem>>, vector<3200x128xf32>
    %mul3A = arith.mulf %get3A_1, %get3A_1 : vector<3200x128xf32>
    %reduce_sum3A = arith.constant dense<0.000000e+00> : vector<3200xf32>
    %reduce_sum3A_2 = vector.multi_reduction <add>, %mul3A, %reduce_sum3A [1] : vector<3200x128xf32> to vector<3200xf32>
    %broadcast_in_dim3A = vector.shape_cast %reduce_sum3A_2 : vector<3200xf32> to vector<3200x1xf32>
    %sqrt3A = math.sqrt %broadcast_in_dim3A : vector<3200x1xf32>
    %iota3A = tpu.iota {dimensions = array<i32: 1>} : vector<1x64xi32>
    %convert_element_type3A = arith.sitofp %iota3A : vector<1x64xi32> to vector<1x64xf32>
    %mul3A_3 = arith.constant 0.079365082 : f32
    %mul3A_4 = vector.broadcast %mul3A_3 : f32 to vector<1x64xf32>
    %mul3A_5 = arith.mulf %convert_element_type3A, %mul3A_4 : vector<1x64xf32>
    %sub3A = vector.broadcast %sqrt3A : vector<3200x1xf32> to vector<3200x64xf32>
    %sub3A_6 = vector.broadcast %mul3A_5 : vector<1x64xf32> to vector<3200x64xf32>
    %sub3A_7 = arith.subf %sub3A, %sub3A_6 : vector<3200x64xf32>
    %mul3A_8 = arith.mulf %sub3A_7, %sub3A_7 : vector<3200x64xf32>
    %neg3A = arith.constant 0.000000e+00 : f32
    %neg3A_9 = vector.broadcast %neg3A : f32 to vector<3200x64xf32>
    %neg3A_10 = arith.subf %neg3A_9, %mul3A_8 : vector<3200x64xf32>
    %mul3A_11 = arith.constant 3.276800e+02 : f32
    %mul3A_12 = vector.broadcast %mul3A_11 : f32 to vector<3200x64xf32>
    %mul3A_13 = arith.mulf %neg3A_10, %mul3A_12 : vector<3200x64xf32>
    %exp3A = math.exp %mul3A_13 : vector<3200x64xf32>
    %get3A_14 = arith.constant 0 : index
    %get3A_15 = arith.constant 0 : index
    %get3A_16 = vector.load %arg5[%get3A_14, %get3A_15] : memref<64x64xf32, #tpu.memory_space<vmem>>, vector<64x64xf32>
    %dot_general3A = arith.constant dense<0.000000e+00> : vector<3200x64xf32>
    %dot_general3A_17 = tpu.matmul %exp3A, %get3A_16, %dot_general3A {dimension_numbers = #tpu.dot_dimension_numbers<[1], [0], [0], [1], [0, 0, 1, 1], [], []>, transpose_lhs_hint = false} : vector<3200x64xf32>, vector<64x64xf32>, vector<3200x64xf32> -> vector<3200x64xf32>
    %get3A_18 = arith.constant 0 : index
    %get3A_19 = arith.constant 0 : index
    %get3A_20 = vector.load %arg6[%get3A_18, %get3A_19] : memref<1x64xf32, #tpu.memory_space<vmem>>, vector<1x64xf32>
    %add3A = vector.broadcast %get3A_20 : vector<1x64xf32> to vector<3200x64xf32>
    %add3A_21 = arith.addf %dot_general3A_17, %add3A : vector<3200x64xf32>
    %reduce_sum3A_22 = arith.constant dense<0.000000e+00> : vector<3200xf32>
    %reduce_sum3A_23 = vector.multi_reduction <add>, %add3A_21, %reduce_sum3A_22 [1] : vector<3200x64xf32> to vector<3200xf32>
    %broadcast_in_dim3A_24 = vector.shape_cast %reduce_sum3A_23 : vector<3200xf32> to vector<3200x1xf32>
    %div3A = arith.constant 6.400000e+01 : f32
    %div3A_25 = vector.broadcast %div3A : f32 to vector<3200x1xf32>
    %div3A_26 = arith.divf %broadcast_in_dim3A_24, %div3A_25 : vector<3200x1xf32>
    %sub3A_27 = vector.broadcast %div3A_26 : vector<3200x1xf32> to vector<3200x64xf32>
    %sub3A_28 = arith.subf %add3A_21, %sub3A_27 : vector<3200x64xf32>
    %mul3A_29 = arith.mulf %sub3A_28, %sub3A_28 : vector<3200x64xf32>
    %reduce_sum3A_30 = arith.constant dense<0.000000e+00> : vector<3200xf32>
    %reduce_sum3A_31 = vector.multi_reduction <add>, %mul3A_29, %reduce_sum3A_30 [1] : vector<3200x64xf32> to vector<3200xf32>
    %broadcast_in_dim3A_32 = vector.shape_cast %reduce_sum3A_31 : vector<3200xf32> to vector<3200x1xf32>
    %div3A_33 = arith.constant 6.400000e+01 : f32
    %div3A_34 = vector.broadcast %div3A_33 : f32 to vector<3200x1xf32>
    %div3A_35 = arith.divf %broadcast_in_dim3A_32, %div3A_34 : vector<3200x1xf32>
    %add3A_36 = arith.constant 9.99999997E-7 : f32
    %add3A_37 = vector.broadcast %add3A_36 : f32 to vector<3200x1xf32>
    %add3A_38 = arith.addf %div3A_35, %add3A_37 : vector<3200x1xf32>
    %sqrt3A_39 = math.sqrt %add3A_38 : vector<3200x1xf32>
    %div3A_40 = vector.broadcast %sqrt3A_39 : vector<3200x1xf32> to vector<3200x64xf32>
    %div3A_41 = arith.divf %sub3A_28, %div3A_40 : vector<3200x64xf32>
    %logistic3A = arith.negf %div3A_41 : vector<3200x64xf32>
    %logistic3A_42 = math.exp %logistic3A : vector<3200x64xf32>
    %logistic3A_43 = arith.constant 1.000000e+00 : f32
    %logistic3A_44 = vector.broadcast %logistic3A_43 : f32 to vector<3200x64xf32>
    %logistic3A_45 = arith.addf %logistic3A_44, %logistic3A_42 : vector<3200x64xf32>
    %logistic3A_46 = arith.divf %logistic3A_44, %logistic3A_45 : vector<3200x64xf32>
    %mul3A_47 = arith.mulf %div3A_41, %logistic3A_46 : vector<3200x64xf32>
    %get3A_48 = arith.constant 0 : index
    %get3A_49 = arith.constant 0 : index
    %get3A_50 = vector.load %arg7[%get3A_48, %get3A_49] : memref<64x64xf32, #tpu.memory_space<vmem>>, vector<64x64xf32>
    %dot_general3A_51 = arith.constant dense<0.000000e+00> : vector<3200x64xf32>
    %dot_general3A_52 = tpu.matmul %mul3A_47, %get3A_50, %dot_general3A_51 {dimension_numbers = #tpu.dot_dimension_numbers<[1], [0], [0], [1], [0, 0, 1, 1], [], []>, transpose_lhs_hint = false} : vector<3200x64xf32>, vector<64x64xf32>, vector<3200x64xf32> -> vector<3200x64xf32>
    %get3A_53 = arith.constant 0 : index
    %get3A_54 = arith.constant 0 : index
    %get3A_55 = vector.load %arg8[%get3A_53, %get3A_54] : memref<1x64xf32, #tpu.memory_space<vmem>>, vector<1x64xf32>
    %add3A_56 = vector.broadcast %get3A_55 : vector<1x64xf32> to vector<3200x64xf32>
    %add3A_57 = arith.addf %dot_general3A_52, %add3A_56 : vector<3200x64xf32>
    %reduce_sum3A_58 = arith.constant dense<0.000000e+00> : vector<3200xf32>
    %reduce_sum3A_59 = vector.multi_reduction <add>, %add3A_57, %reduce_sum3A_58 [1] : vector<3200x64xf32> to vector<3200xf32>
    %broadcast_in_dim3A_60 = vector.shape_cast %reduce_sum3A_59 : vector<3200xf32> to vector<3200x1xf32>
    %div3A_61 = arith.constant 6.400000e+01 : f32
    %div3A_62 = vector.broadcast %div3A_61 : f32 to vector<3200x1xf32>
    %div3A_63 = arith.divf %broadcast_in_dim3A_60, %div3A_62 : vector<3200x1xf32>
    %sub3A_64 = vector.broadcast %div3A_63 : vector<3200x1xf32> to vector<3200x64xf32>
    %sub3A_65 = arith.subf %add3A_57, %sub3A_64 : vector<3200x64xf32>
    %mul3A_66 = arith.mulf %sub3A_65, %sub3A_65 : vector<3200x64xf32>
    %reduce_sum3A_67 = arith.constant dense<0.000000e+00> : vector<3200xf32>
    %reduce_sum3A_68 = vector.multi_reduction <add>, %mul3A_66, %reduce_sum3A_67 [1] : vector<3200x64xf32> to vector<3200xf32>
    %broadcast_in_dim3A_69 = vector.shape_cast %reduce_sum3A_68 : vector<3200xf32> to vector<3200x1xf32>
    %div3A_70 = arith.constant 6.400000e+01 : f32
    %div3A_71 = vector.broadcast %div3A_70 : f32 to vector<3200x1xf32>
    %div3A_72 = arith.divf %broadcast_in_dim3A_69, %div3A_71 : vector<3200x1xf32>
    %add3A_73 = arith.constant 9.99999997E-7 : f32
    %add3A_74 = vector.broadcast %add3A_73 : f32 to vector<3200x1xf32>
    %add3A_75 = arith.addf %div3A_72, %add3A_74 : vector<3200x1xf32>
    %sqrt3A_76 = math.sqrt %add3A_75 : vector<3200x1xf32>
    %div3A_77 = vector.broadcast %sqrt3A_76 : vector<3200x1xf32> to vector<3200x64xf32>
    %div3A_78 = arith.divf %sub3A_65, %div3A_77 : vector<3200x64xf32>
    %logistic3A_79 = arith.negf %div3A_78 : vector<3200x64xf32>
    %logistic3A_80 = math.exp %logistic3A_79 : vector<3200x64xf32>
    %logistic3A_81 = arith.constant 1.000000e+00 : f32
    %logistic3A_82 = vector.broadcast %logistic3A_81 : f32 to vector<3200x64xf32>
    %logistic3A_83 = arith.addf %logistic3A_82, %logistic3A_80 : vector<3200x64xf32>
    %logistic3A_84 = arith.divf %logistic3A_82, %logistic3A_83 : vector<3200x64xf32>
    %mul3A_85 = arith.mulf %div3A_78, %logistic3A_84 : vector<3200x64xf32>
    %get3A_86 = arith.constant 0 : index
    %get3A_87 = arith.constant 0 : index
    %get3A_88 = vector.load %arg9[%get3A_86, %get3A_87] : memref<64x8xf32, #tpu.memory_space<vmem>>, vector<64x8xf32>
    %dot_general3A_89 = arith.constant dense<0.000000e+00> : vector<3200x8xf32>
    %dot_general3A_90 = tpu.matmul %mul3A_85, %get3A_88, %dot_general3A_89 {dimension_numbers = #tpu.dot_dimension_numbers<[1], [0], [0], [1], [0, 0, 1, 1], [], []>, transpose_lhs_hint = false} : vector<3200x64xf32>, vector<64x8xf32>, vector<3200x8xf32> -> vector<3200x8xf32>
    %get3A_91 = arith.constant 0 : index
    %get3A_92 = arith.constant 0 : index
    %get3A_93 = vector.load %arg10[%get3A_91, %get3A_92] : memref<1x8xf32, #tpu.memory_space<vmem>>, vector<1x8xf32>
    %add3A_94 = vector.broadcast %get3A_93 : vector<1x8xf32> to vector<3200x8xf32>
    %add3A_95 = arith.addf %dot_general3A_90, %add3A_94 : vector<3200x8xf32>
    %get3A_96 = arith.constant 0 : index
    %get3A_97 = arith.constant 0 : index
    %get3A_98 = vector.load %arg11[%get3A_96, %get3A_97] : memref<64x64xf32, #tpu.memory_space<vmem>>, vector<64x64xf32>
    %dot_general3A_99 = arith.constant dense<0.000000e+00> : vector<3200x64xf32>
    %dot_general3A_100 = tpu.matmul %exp3A, %get3A_98, %dot_general3A_99 {dimension_numbers = #tpu.dot_dimension_numbers<[1], [0], [0], [1], [0, 0, 1, 1], [], []>, transpose_lhs_hint = false} : vector<3200x64xf32>, vector<64x64xf32>, vector<3200x64xf32> -> vector<3200x64xf32>
    %get3A_101 = arith.constant 0 : index
    %get3A_102 = arith.constant 0 : index
    %get3A_103 = vector.load %arg12[%get3A_101, %get3A_102] : memref<1x64xf32, #tpu.memory_space<vmem>>, vector<1x64xf32>
    %add3A_104 = vector.broadcast %get3A_103 : vector<1x64xf32> to vector<3200x64xf32>
    %add3A_105 = arith.addf %dot_general3A_100, %add3A_104 : vector<3200x64xf32>
    %reduce_sum3A_106 = arith.constant dense<0.000000e+00> : vector<3200xf32>
    %reduce_sum3A_107 = vector.multi_reduction <add>, %add3A_105, %reduce_sum3A_106 [1] : vector<3200x64xf32> to vector<3200xf32>
    %broadcast_in_dim3A_108 = vector.shape_cast %reduce_sum3A_107 : vector<3200xf32> to vector<3200x1xf32>
    %div3A_109 = arith.constant 6.400000e+01 : f32
    %div3A_110 = vector.broadcast %div3A_109 : f32 to vector<3200x1xf32>
    %div3A_111 = arith.divf %broadcast_in_dim3A_108, %div3A_110 : vector<3200x1xf32>
    %sub3A_112 = vector.broadcast %div3A_111 : vector<3200x1xf32> to vector<3200x64xf32>
    %sub3A_113 = arith.subf %add3A_105, %sub3A_112 : vector<3200x64xf32>
    %mul3A_114 = arith.mulf %sub3A_113, %sub3A_113 : vector<3200x64xf32>
    %reduce_sum3A_115 = arith.constant dense<0.000000e+00> : vector<3200xf32>
    %reduce_sum3A_116 = vector.multi_reduction <add>, %mul3A_114, %reduce_sum3A_115 [1] : vector<3200x64xf32> to vector<3200xf32>
    %broadcast_in_dim3A_117 = vector.shape_cast %reduce_sum3A_116 : vector<3200xf32> to vector<3200x1xf32>
    %div3A_118 = arith.constant 6.400000e+01 : f32
    %div3A_119 = vector.broadcast %div3A_118 : f32 to vector<3200x1xf32>
    %div3A_120 = arith.divf %broadcast_in_dim3A_117, %div3A_119 : vector<3200x1xf32>
    %add3A_121 = arith.constant 9.99999997E-7 : f32
    %add3A_122 = vector.broadcast %add3A_121 : f32 to vector<3200x1xf32>
    %add3A_123 = arith.addf %div3A_120, %add3A_122 : vector<3200x1xf32>
    %sqrt3A_124 = math.sqrt %add3A_123 : vector<3200x1xf32>
    %div3A_125 = vector.broadcast %sqrt3A_124 : vector<3200x1xf32> to vector<3200x64xf32>
    %div3A_126 = arith.divf %sub3A_113, %div3A_125 : vector<3200x64xf32>
    %logistic3A_127 = arith.negf %div3A_126 : vector<3200x64xf32>
    %logistic3A_128 = math.exp %logistic3A_127 : vector<3200x64xf32>
    %logistic3A_129 = arith.constant 1.000000e+00 : f32
    %logistic3A_130 = vector.broadcast %logistic3A_129 : f32 to vector<3200x64xf32>
    %logistic3A_131 = arith.addf %logistic3A_130, %logistic3A_128 : vector<3200x64xf32>
    %logistic3A_132 = arith.divf %logistic3A_130, %logistic3A_131 : vector<3200x64xf32>
    %mul3A_133 = arith.mulf %div3A_126, %logistic3A_132 : vector<3200x64xf32>
    %get3A_134 = arith.constant 0 : index
    %get3A_135 = arith.constant 0 : index
    %get3A_136 = vector.load %arg13[%get3A_134, %get3A_135] : memref<64x64xf32, #tpu.memory_space<vmem>>, vector<64x64xf32>
    %dot_general3A_137 = arith.constant dense<0.000000e+00> : vector<3200x64xf32>
    %dot_general3A_138 = tpu.matmul %mul3A_133, %get3A_136, %dot_general3A_137 {dimension_numbers = #tpu.dot_dimension_numbers<[1], [0], [0], [1], [0, 0, 1, 1], [], []>, transpose_lhs_hint = false} : vector<3200x64xf32>, vector<64x64xf32>, vector<3200x64xf32> -> vector<3200x64xf32>
    %get3A_139 = arith.constant 0 : index
    %get3A_140 = arith.constant 0 : index
    %get3A_141 = vector.load %arg14[%get3A_139, %get3A_140] : memref<1x64xf32, #tpu.memory_space<vmem>>, vector<1x64xf32>
    %add3A_142 = vector.broadcast %get3A_141 : vector<1x64xf32> to vector<3200x64xf32>
    %add3A_143 = arith.addf %dot_general3A_138, %add3A_142 : vector<3200x64xf32>
    %reduce_sum3A_144 = arith.constant dense<0.000000e+00> : vector<3200xf32>
    %reduce_sum3A_145 = vector.multi_reduction <add>, %add3A_143, %reduce_sum3A_144 [1] : vector<3200x64xf32> to vector<3200xf32>
    %broadcast_in_dim3A_146 = vector.shape_cast %reduce_sum3A_145 : vector<3200xf32> to vector<3200x1xf32>
    %div3A_147 = arith.constant 6.400000e+01 : f32
    %div3A_148 = vector.broadcast %div3A_147 : f32 to vector<3200x1xf32>
    %div3A_149 = arith.divf %broadcast_in_dim3A_146, %div3A_148 : vector<3200x1xf32>
    %sub3A_150 = vector.broadcast %div3A_149 : vector<3200x1xf32> to vector<3200x64xf32>
    %sub3A_151 = arith.subf %add3A_143, %sub3A_150 : vector<3200x64xf32>
    %mul3A_152 = arith.mulf %sub3A_151, %sub3A_151 : vector<3200x64xf32>
    %reduce_sum3A_153 = arith.constant dense<0.000000e+00> : vector<3200xf32>
    %reduce_sum3A_154 = vector.multi_reduction <add>, %mul3A_152, %reduce_sum3A_153 [1] : vector<3200x64xf32> to vector<3200xf32>
    %broadcast_in_dim3A_155 = vector.shape_cast %reduce_sum3A_154 : vector<3200xf32> to vector<3200x1xf32>
    %div3A_156 = arith.constant 6.400000e+01 : f32
    %div3A_157 = vector.broadcast %div3A_156 : f32 to vector<3200x1xf32>
    %div3A_158 = arith.divf %broadcast_in_dim3A_155, %div3A_157 : vector<3200x1xf32>
    %add3A_159 = arith.constant 9.99999997E-7 : f32
    %add3A_160 = vector.broadcast %add3A_159 : f32 to vector<3200x1xf32>
    %add3A_161 = arith.addf %div3A_158, %add3A_160 : vector<3200x1xf32>
    %sqrt3A_162 = math.sqrt %add3A_161 : vector<3200x1xf32>
    %div3A_163 = vector.broadcast %sqrt3A_162 : vector<3200x1xf32> to vector<3200x64xf32>
    %div3A_164 = arith.divf %sub3A_151, %div3A_163 : vector<3200x64xf32>
    %logistic3A_165 = arith.negf %div3A_164 : vector<3200x64xf32>
    %logistic3A_166 = math.exp %logistic3A_165 : vector<3200x64xf32>
    %logistic3A_167 = arith.constant 1.000000e+00 : f32
    %logistic3A_168 = vector.broadcast %logistic3A_167 : f32 to vector<3200x64xf32>
    %logistic3A_169 = arith.addf %logistic3A_168, %logistic3A_166 : vector<3200x64xf32>
    %logistic3A_170 = arith.divf %logistic3A_168, %logistic3A_169 : vector<3200x64xf32>
    %mul3A_171 = arith.mulf %div3A_164, %logistic3A_170 : vector<3200x64xf32>
    %get3A_172 = arith.constant 0 : index
    %get3A_173 = arith.constant 0 : index
    %get3A_174 = vector.load %arg15[%get3A_172, %get3A_173] : memref<64x8xf32, #tpu.memory_space<vmem>>, vector<64x8xf32>
    %dot_general3A_175 = arith.constant dense<0.000000e+00> : vector<3200x8xf32>
    %dot_general3A_176 = tpu.matmul %mul3A_171, %get3A_174, %dot_general3A_175 {dimension_numbers = #tpu.dot_dimension_numbers<[1], [0], [0], [1], [0, 0, 1, 1], [], []>, transpose_lhs_hint = false} : vector<3200x64xf32>, vector<64x8xf32>, vector<3200x8xf32> -> vector<3200x8xf32>
    %get3A_177 = arith.constant 0 : index
    %get3A_178 = arith.constant 0 : index
    %get3A_179 = vector.load %arg16[%get3A_177, %get3A_178] : memref<1x8xf32, #tpu.memory_space<vmem>>, vector<1x8xf32>
    %add3A_180 = vector.broadcast %get3A_179 : vector<1x8xf32> to vector<3200x8xf32>
    %add3A_181 = arith.addf %dot_general3A_176, %add3A_180 : vector<3200x8xf32>
    %mul3A_182 = arith.mulf %add3A_95, %add3A_181 : vector<3200x8xf32>
    %jit3A = arith.constant -6.000000e+01 : f32
    %jit3A_183 = arith.constant 6.000000e+01 : f32
    %max3A = vector.broadcast %jit3A : f32 to vector<3200x8xf32>
    %max3A_184 = arith.maximumf %max3A, %mul3A_182 : vector<3200x8xf32>
    %min3A = vector.broadcast %jit3A_183 : f32 to vector<3200x8xf32>
    %min3A_185 = arith.minimumf %min3A, %max3A_184 : vector<3200x8xf32>
    %exp3A_186 = math.exp %min3A_185 : vector<3200x8xf32>
    %get3A_187 = arith.constant 0 : index
    %get3A_188 = arith.constant 0 : index
    %get3A_189 = vector.load %arg3[%get3A_187, %get3A_188] : memref<64x128xf32, #tpu.memory_space<vmem>>, vector<64x128xf32>
    %get3A_190 = arith.constant 0 : index
    %get3A_191 = arith.constant 0 : index
    %get3A_192 = vector.load %arg4[%get3A_190, %get3A_191] : memref<128x128xf32, #tpu.memory_space<vmem>>, vector<128x128xf32>
    %dot_general3A_193 = arith.constant dense<0.000000e+00> : vector<64x128xf32>
    %dot_general3A_194 = tpu.matmul %get3A_189, %get3A_192, %dot_general3A_193 {dimension_numbers = #tpu.dot_dimension_numbers<[1], [0], [0], [1], [0, 0, 1, 1], [], []>, transpose_lhs_hint = false} : vector<64x128xf32>, vector<128x128xf32>, vector<64x128xf32> -> vector<64x128xf32>
    %dot_general3A_195 = arith.constant dense<0.000000e+00> : vector<3200x128xf32>
    %dot_general3A_196 = tpu.matmul %exp3A, %dot_general3A_194, %dot_general3A_195 {dimension_numbers = #tpu.dot_dimension_numbers<[1], [0], [0], [1], [0, 0, 1, 1], [], []>, transpose_lhs_hint = false} : vector<3200x64xf32>, vector<64x128xf32>, vector<3200x128xf32> -> vector<3200x128xf32>
    %iota3A_197 = tpu.iota {dimensions = array<i32: 0>} : vector<8x128xi32>
    %iota3A_198 = tpu.iota {dimensions = array<i32: 1>} : vector<8x128xi32>
    %jit3A_199 = arith.constant 16 : i32
    %div3A_200 = vector.broadcast %jit3A_199 : i32 to vector<8x128xi32>
    %div3A_201 = arith.divsi %iota3A_198, %div3A_200 : vector<8x128xi32>
    %sign3A = arith.constant 0 : i32
    %sign3A_202 = vector.broadcast %sign3A : i32 to vector<8x128xi32>
    %sign3A_203 = arith.cmpi sgt, %iota3A_198, %sign3A_202 : vector<8x128xi32>
    %sign3A_204 = arith.extui %sign3A_203 : vector<8x128xi1> to vector<8x128xi32>
    %sign3A_205 = arith.constant 0 : i32
    %sign3A_206 = vector.broadcast %sign3A_205 : i32 to vector<8x128xi32>
    %sign3A_207 = arith.cmpi slt, %iota3A_198, %sign3A_206 : vector<8x128xi32>
    %sign3A_208 = arith.extui %sign3A_207 : vector<8x128xi1> to vector<8x128xi32>
    %sign3A_209 = arith.subi %sign3A_204, %sign3A_208 : vector<8x128xi32>
    %sign3A_210 = arith.constant 0 : i32
    %sign3A_211 = arith.cmpi sgt, %jit3A_199, %sign3A_210 : i32
    %sign3A_212 = arith.extui %sign3A_211 : i1 to i32
    %sign3A_213 = arith.constant 0 : i32
    %sign3A_214 = arith.cmpi slt, %jit3A_199, %sign3A_213 : i32
    %sign3A_215 = arith.extui %sign3A_214 : i1 to i32
    %sign3A_216 = arith.subi %sign3A_212, %sign3A_215 : i32
    %ne3A = vector.broadcast %sign3A_216 : i32 to vector<8x128xi32>
    %ne3A_217 = arith.cmpi ne, %sign3A_209, %ne3A : vector<8x128xi32>
    %rem3A = vector.broadcast %jit3A_199 : i32 to vector<8x128xi32>
    %rem3A_218 = arith.remsi %iota3A_198, %rem3A : vector<8x128xi32>
    %ne3A_219 = arith.constant 0 : i32
    %ne3A_220 = vector.broadcast %ne3A_219 : i32 to vector<8x128xi32>
    %ne3A_221 = arith.cmpi ne, %rem3A_218, %ne3A_220 : vector<8x128xi32>
    %and3A = arith.andi %ne3A_217, %ne3A_221 : vector<8x128xi1>
    %sub3A_222 = arith.constant 1 : i32
    %sub3A_223 = vector.broadcast %sub3A_222 : i32 to vector<8x128xi32>
    %sub3A_224 = arith.subi %div3A_201, %sub3A_223 : vector<8x128xi32>
    %select_n3A = arith.select %and3A, %sub3A_224, %div3A_201 : vector<8x128xi1>, vector<8x128xi32>
    %eq3A = arith.cmpi eq, %iota3A_197, %select_n3A : vector<8x128xi32>
    %convert_element_type3A_225 = arith.extui %eq3A : vector<8x128xi1> to vector<8x128xi32>
    %convert_element_type3A_226 = arith.sitofp %convert_element_type3A_225 : vector<8x128xi32> to vector<8x128xf32>
    %dot_general3A_227 = arith.constant dense<0.000000e+00> : vector<3200x128xf32>
    %dot_general3A_228 = tpu.matmul %exp3A_186, %convert_element_type3A_226, %dot_general3A_227 {dimension_numbers = #tpu.dot_dimension_numbers<[1], [0], [0], [1], [0, 0, 1, 1], [], []>, transpose_lhs_hint = false} : vector<3200x8xf32>, vector<8x128xf32>, vector<3200x128xf32> -> vector<3200x128xf32>
    %get3A_229 = arith.constant 0 : index
    %get3A_230 = arith.constant 0 : index
    %get3A_231 = vector.load %arg2[%get3A_229, %get3A_230] : memref<3200x128xf32, #tpu.memory_space<vmem>>, vector<3200x128xf32>
    %add3A_232 = arith.addf %get3A_231, %dot_general3A_196 : vector<3200x128xf32>
    %mul3A_233 = arith.mulf %add3A_232, %dot_general3A_228 : vector<3200x128xf32>
    %swap3A = arith.constant 0 : index
    %swap3A_234 = arith.constant 0 : index
    %swap3A_235 = vector.load %arg17[%swap3A, %swap3A_234] : memref<3200x128xf32, #tpu.memory_space<vmem>>, vector<3200x128xf32>
    tpu.vector_store %arg17[%swap3A, %swap3A_234], %mul3A_233 {strides = array<i32>} : memref<3200x128xf32, #tpu.memory_space<vmem>>, vector<3200x128xf32>,
    %broadcast_in_dim3A_236 = arith.constant 0.000000e+00 : f32
    %broadcast_in_dim3A_237 = vector.broadcast %broadcast_in_dim3A_236 : f32 to vector<3200x120xf32>
    %concatenate3A = tpu.concatenate %exp3A_186, %broadcast_in_dim3A_237 in 1 : vector<3200x8xf32>, vector<3200x120xf32> -> vector<3200x128xf32>
    %swap3A_238 = arith.constant 0 : index
    %swap3A_239 = arith.constant 0 : index
    %swap3A_240 = vector.load %arg18[%swap3A_238, %swap3A_239] : memref<3200x128xf32, #tpu.memory_space<vmem>>, vector<3200x128xf32>
    tpu.vector_store %arg18[%swap3A_238, %swap3A_239], %concatenate3A {strides = array<i32>} : memref<3200x128xf32, #tpu.memory_space<vmem>>, vector<3200x128xf32>,
    return
  }
  func.func @transform_0(%arg0: i32) -> (i32, i32) {
    %c0_i32 = arith.constant 0 : i32
    %c0_i32_0 = arith.constant 0 : i32
    return %arg0, %c0_i32 : i32, i32
  }
  func.func @transform_1(%arg0: i32) -> (i32, i32) {
    %c0_i32 = arith.constant 0 : i32
    %c0_i32_0 = arith.constant 0 : i32
    return %arg0, %c0_i32 : i32, i32
  }
  func.func @transform_2(%arg0: i32) -> (i32, i32) {
    %c4_i32 = arith.constant 4 : i32
    %c0_i32 = arith.constant 0 : i32
    %c0_i32_0 = arith.constant 0 : i32
    return %c4_i32, %c0_i32 : i32, i32
  }
  func.func @transform_3(%arg0: i32) -> (i32, i32) {
    %c0_i32 = arith.constant 0 : i32
    %c0_i32_0 = arith.constant 0 : i32
    %c0_i32_1 = arith.constant 0 : i32
    return %c0_i32, %c0_i32_0 : i32, i32
  }
  func.func @transform_4(%arg0: i32) -> (i32, i32) {
    %c0_i32 = arith.constant 0 : i32
    %c0_i32_0 = arith.constant 0 : i32
    %c0_i32_1 = arith.constant 0 : i32
    return %c0_i32, %c0_i32_0 : i32, i32
  }
  func.func @transform_5(%arg0: i32) -> (i32, i32) {
    %c0_i32 = arith.constant 0 : i32
    %c0_i32_0 = arith.constant 0 : i32
    %c0_i32_1 = arith.constant 0 : i32
    return %c0_i32, %c0_i32_0 : i32, i32
  }
  func.func @transform_6(%arg0: i32) -> (i32, i32) {
    %c0_i32 = arith.constant 0 : i32
    %c0_i32_0 = arith.constant 0 : i32
    %c0_i32_1 = arith.constant 0 : i32
    return %c0_i32, %c0_i32_0 : i32, i32
  }
  func.func @transform_7(%arg0: i32) -> (i32, i32) {
    %c0_i32 = arith.constant 0 : i32
    %c0_i32_0 = arith.constant 0 : i32
    %c0_i32_1 = arith.constant 0 : i32
    return %c0_i32, %c0_i32_0 : i32, i32
  }
  func.func @transform_8(%arg0: i32) -> (i32, i32) {
    %c0_i32 = arith.constant 0 : i32
    %c0_i32_0 = arith.constant 0 : i32
    %c0_i32_1 = arith.constant 0 : i32
    return %c0_i32, %c0_i32_0 : i32, i32
  }
  func.func @transform_9(%arg0: i32) -> (i32, i32) {
    %c0_i32 = arith.constant 0 : i32
    %c0_i32_0 = arith.constant 0 : i32
    %c0_i32_1 = arith.constant 0 : i32
    return %c0_i32, %c0_i32_0 : i32, i32
  }
  func.func @transform_10(%arg0: i32) -> (i32, i32) {
    %c0_i32 = arith.constant 0 : i32
    %c0_i32_0 = arith.constant 0 : i32
    %c0_i32_1 = arith.constant 0 : i32
    return %c0_i32, %c0_i32_0 : i32, i32
  }
  func.func @transform_11(%arg0: i32) -> (i32, i32) {
    %c0_i32 = arith.constant 0 : i32
    %c0_i32_0 = arith.constant 0 : i32
    %c0_i32_1 = arith.constant 0 : i32
    return %c0_i32, %c0_i32_0 : i32, i32
  }
  func.func @transform_12(%arg0: i32) -> (i32, i32) {
    %c0_i32 = arith.constant 0 : i32
    %c0_i32_0 = arith.constant 0 : i32
    %c0_i32_1 = arith.constant 0 : i32
    return %c0_i32, %c0_i32_0 : i32, i32
  }
  func.func @transform_13(%arg0: i32) -> (i32, i32) {
    %c0_i32 = arith.constant 0 : i32
    %c0_i32_0 = arith.constant 0 : i32
    %c0_i32_1 = arith.constant 0 : i32
    return %c0_i32, %c0_i32_0 : i32, i32
  }
  func.func @transform_14(%arg0: i32) -> (i32, i32) {
    %c0_i32 = arith.constant 0 : i32
    %c0_i32_0 = arith.constant 0 : i32
    %c0_i32_1 = arith.constant 0 : i32
    return %c0_i32, %c0_i32_0 : i32, i32
  }
  func.func @transform_15(%arg0: i32) -> (i32, i32) {
    %c0_i32 = arith.constant 0 : i32
    %c0_i32_0 = arith.constant 0 : i32
    %c0_i32_1 = arith.constant 0 : i32
    return %c0_i32, %c0_i32_0 : i32, i32
  }
  func.func @transform_16(%arg0: i32) -> (i32, i32) {
    %c0_i32 = arith.constant 0 : i32
    %c0_i32_0 = arith.constant 0 : i32
    return %arg0, %c0_i32 : i32, i32
  }
  func.func @transform_17(%arg0: i32) -> (i32, i32) {
    %c0_i32 = arith.constant 0 : i32
    %c0_i32_0 = arith.constant 0 : i32
    return %arg0, %c0_i32 : i32, i32
  }
}

module attributes {stable_mosaic.version = 14 : i64} {
  func.func @body(%arg0: i32, %arg1: memref<2x2000x128xf32, #tpu.memory_space<vmem>>, %arg2: memref<2x2000x128xf32, #tpu.memory_space<vmem>>, %arg3: memref<2000x128xf32, #tpu.memory_space<vmem>>, %arg4: memref<128x128xf32, #tpu.memory_space<vmem>>, %arg5: memref<1x128xf32, #tpu.memory_space<vmem>>, %arg6: memref<2000x128xf32, #tpu.memory_space<vmem>>) attributes {dimension_semantics = [#tpu.dimension_semantics<arbitrary>], iteration_bounds = array<i64: 5>, scalar_prefetch = 0 : i64, scratch_operands = 0 : i64, tpu.core_type = #tpu.core_type<tc>, window_params = [{transform_indices = @transform_0, window_bounds = array<i64: 2, 2000, 128>}, {transform_indices = @transform_1, window_bounds = array<i64: 2, 2000, 128>}, {transform_indices = @transform_2, window_bounds = array<i64: 2000, 128>}, {pipeline_mode = #tpu.pipeline_mode<synchronous>, transform_indices = @transform_3, window_bounds = array<i64: 128, 128>}, {pipeline_mode = #tpu.pipeline_mode<synchronous>, transform_indices = @transform_4, window_bounds = array<i64: 1, 128>}, {transform_indices = @transform_5, window_bounds = array<i64: 2000, 128>}]} {
    %get3A = arith.constant 0 : index
    %get3A_0 = arith.constant 0 : index
    %get3A_1 = arith.constant 0 : index
    %get3A_2 = vector.load %arg1[%get3A, %get3A_0, %get3A_1] : memref<2x2000x128xf32, #tpu.memory_space<vmem>>, vector<1x2000x128xf32>
    %get3A_3 = vector.shape_cast %get3A_2 : vector<1x2000x128xf32> to vector<2000x128xf32>
    %get3A_4 = arith.constant 0 : index
    %get3A_5 = arith.constant 0 : index
    %get3A_6 = arith.constant 0 : index
    %get3A_7 = vector.load %arg2[%get3A_4, %get3A_5, %get3A_6] : memref<2x2000x128xf32, #tpu.memory_space<vmem>>, vector<1x2000x128xf32>
    %get3A_8 = vector.shape_cast %get3A_7 : vector<1x2000x128xf32> to vector<2000x128xf32>
    %get3A_9 = arith.constant 1 : index
    %get3A_10 = arith.constant 0 : index
    %get3A_11 = arith.constant 0 : index
    %get3A_12 = vector.load %arg1[%get3A_9, %get3A_10, %get3A_11] : memref<2x2000x128xf32, #tpu.memory_space<vmem>>, vector<1x2000x128xf32>
    %get3A_13 = vector.shape_cast %get3A_12 : vector<1x2000x128xf32> to vector<2000x128xf32>
    %add3A = arith.addf %get3A_3, %get3A_13 : vector<2000x128xf32>
    %get3A_14 = arith.constant 1 : index
    %get3A_15 = arith.constant 0 : index
    %get3A_16 = arith.constant 0 : index
    %get3A_17 = vector.load %arg2[%get3A_14, %get3A_15, %get3A_16] : memref<2x2000x128xf32, #tpu.memory_space<vmem>>, vector<1x2000x128xf32>
    %get3A_18 = vector.shape_cast %get3A_17 : vector<1x2000x128xf32> to vector<2000x128xf32>
    %add3A_19 = arith.addf %get3A_8, %get3A_18 : vector<2000x128xf32>
    %slice3A = vector.extract_strided_slice %add3A_19 {offsets = [0, 0], sizes = [2000, 8], strides = [1, 1]} : vector<2000x128xf32> to vector<2000x8xf32>
    %iota3A = tpu.iota {dimensions = array<i32: 0>} : vector<8x128xi32>
    %iota3A_20 = tpu.iota {dimensions = array<i32: 1>} : vector<8x128xi32>
    %jit3A = arith.constant 16 : i32
    %div3A = vector.broadcast %jit3A : i32 to vector<8x128xi32>
    %div3A_21 = arith.divsi %iota3A_20, %div3A : vector<8x128xi32>
    %sign3A = arith.constant 0 : i32
    %sign3A_22 = vector.broadcast %sign3A : i32 to vector<8x128xi32>
    %sign3A_23 = arith.cmpi sgt, %iota3A_20, %sign3A_22 : vector<8x128xi32>
    %sign3A_24 = arith.extui %sign3A_23 : vector<8x128xi1> to vector<8x128xi32>
    %sign3A_25 = arith.constant 0 : i32
    %sign3A_26 = vector.broadcast %sign3A_25 : i32 to vector<8x128xi32>
    %sign3A_27 = arith.cmpi slt, %iota3A_20, %sign3A_26 : vector<8x128xi32>
    %sign3A_28 = arith.extui %sign3A_27 : vector<8x128xi1> to vector<8x128xi32>
    %sign3A_29 = arith.subi %sign3A_24, %sign3A_28 : vector<8x128xi32>
    %sign3A_30 = arith.constant 0 : i32
    %sign3A_31 = arith.cmpi sgt, %jit3A, %sign3A_30 : i32
    %sign3A_32 = arith.extui %sign3A_31 : i1 to i32
    %sign3A_33 = arith.constant 0 : i32
    %sign3A_34 = arith.cmpi slt, %jit3A, %sign3A_33 : i32
    %sign3A_35 = arith.extui %sign3A_34 : i1 to i32
    %sign3A_36 = arith.subi %sign3A_32, %sign3A_35 : i32
    %ne3A = vector.broadcast %sign3A_36 : i32 to vector<8x128xi32>
    %ne3A_37 = arith.cmpi ne, %sign3A_29, %ne3A : vector<8x128xi32>
    %rem3A = vector.broadcast %jit3A : i32 to vector<8x128xi32>
    %rem3A_38 = arith.remsi %iota3A_20, %rem3A : vector<8x128xi32>
    %ne3A_39 = arith.constant 0 : i32
    %ne3A_40 = vector.broadcast %ne3A_39 : i32 to vector<8x128xi32>
    %ne3A_41 = arith.cmpi ne, %rem3A_38, %ne3A_40 : vector<8x128xi32>
    %and3A = arith.andi %ne3A_37, %ne3A_41 : vector<8x128xi1>
    %sub3A = arith.constant 1 : i32
    %sub3A_42 = vector.broadcast %sub3A : i32 to vector<8x128xi32>
    %sub3A_43 = arith.subi %div3A_21, %sub3A_42 : vector<8x128xi32>
    %select_n3A = arith.select %and3A, %sub3A_43, %div3A_21 : vector<8x128xi1>, vector<8x128xi32>
    %eq3A = arith.cmpi eq, %iota3A, %select_n3A : vector<8x128xi32>
    %convert_element_type3A = arith.extui %eq3A : vector<8x128xi1> to vector<8x128xi32>
    %convert_element_type3A_44 = arith.sitofp %convert_element_type3A : vector<8x128xi32> to vector<8x128xf32>
    %dot_general3A = arith.constant dense<0.000000e+00> : vector<2000x128xf32>
    %dot_general3A_45 = tpu.matmul %slice3A, %convert_element_type3A_44, %dot_general3A {dimension_numbers = #tpu.dot_dimension_numbers<[1], [0], [0], [1], [0, 0, 1, 1], [], []>, transpose_lhs_hint = false} : vector<2000x8xf32>, vector<8x128xf32>, vector<2000x128xf32> -> vector<2000x128xf32>
    %gt3A = arith.constant 0.000000e+00 : f32
    %gt3A_46 = vector.broadcast %gt3A : f32 to vector<2000x128xf32>
    %gt3A_47 = arith.cmpf ogt, %dot_general3A_45, %gt3A_46 : vector<2000x128xf32>
    %jit3A_48 = arith.constant 1.000000e+00 : f32
    %broadcast_in_dim3A = vector.broadcast %jit3A_48 : f32 to vector<2000x128xf32>
    %select_n3A_49 = arith.select %gt3A_47, %dot_general3A_45, %broadcast_in_dim3A : vector<2000x128xi1>, vector<2000x128xf32>
    %div3A_50 = arith.divf %add3A, %select_n3A_49 : vector<2000x128xf32>
    %get3A_51 = arith.constant 0 : index
    %get3A_52 = arith.constant 0 : index
    %get3A_53 = vector.load %arg3[%get3A_51, %get3A_52] : memref<2000x128xf32, #tpu.memory_space<vmem>>, vector<2000x128xf32>
    %add3A_54 = arith.addf %div3A_50, %get3A_53 : vector<2000x128xf32>
    %jit3A_55 = arith.constant 0.000000e+00 : f32
    %broadcast_in_dim3A_56 = vector.broadcast %jit3A_55 : f32 to vector<2000x128xf32>
    %select_n3A_57 = arith.select %gt3A_47, %add3A_54, %broadcast_in_dim3A_56 : vector<2000x128xi1>, vector<2000x128xf32>
    %get3A_58 = arith.constant 0 : index
    %get3A_59 = arith.constant 0 : index
    %get3A_60 = vector.load %arg4[%get3A_58, %get3A_59] : memref<128x128xf32, #tpu.memory_space<vmem>>, vector<128x128xf32>
    %dot_general3A_61 = arith.constant dense<0.000000e+00> : vector<2000x128xf32>
    %dot_general3A_62 = tpu.matmul %select_n3A_57, %get3A_60, %dot_general3A_61 {dimension_numbers = #tpu.dot_dimension_numbers<[1], [0], [0], [1], [0, 0, 1, 1], [], []>, transpose_lhs_hint = false} : vector<2000x128xf32>, vector<128x128xf32>, vector<2000x128xf32> -> vector<2000x128xf32>
    %get3A_63 = arith.constant 0 : index
    %get3A_64 = arith.constant 0 : index
    %get3A_65 = vector.load %arg5[%get3A_63, %get3A_64] : memref<1x128xf32, #tpu.memory_space<vmem>>, vector<1x128xf32>
    %add3A_66 = vector.broadcast %get3A_65 : vector<1x128xf32> to vector<2000x128xf32>
    %add3A_67 = arith.addf %dot_general3A_62, %add3A_66 : vector<2000x128xf32>
    %swap3A = arith.constant 0 : index
    %swap3A_68 = arith.constant 0 : index
    %swap3A_69 = vector.load %arg6[%swap3A, %swap3A_68] : memref<2000x128xf32, #tpu.memory_space<vmem>>, vector<2000x128xf32>
    tpu.vector_store %arg6[%swap3A, %swap3A_68], %add3A_67 {strides = array<i32>} : memref<2000x128xf32, #tpu.memory_space<vmem>>, vector<2000x128xf32>,
    return
  }
  func.func @transform_0(%arg0: i32) -> (i32, i32, i32) {
    %c0_i32 = arith.constant 0 : i32
    %c0_i32_0 = arith.constant 0 : i32
    %c0_i32_1 = arith.constant 0 : i32
    return %c0_i32, %arg0, %c0_i32_0 : i32, i32, i32
  }
  func.func @transform_1(%arg0: i32) -> (i32, i32, i32) {
    %c0_i32 = arith.constant 0 : i32
    %c0_i32_0 = arith.constant 0 : i32
    %c0_i32_1 = arith.constant 0 : i32
    return %c0_i32, %arg0, %c0_i32_0 : i32, i32, i32
  }
  func.func @transform_2(%arg0: i32) -> (i32, i32) {
    %c0_i32 = arith.constant 0 : i32
    %c0_i32_0 = arith.constant 0 : i32
    return %arg0, %c0_i32 : i32, i32
  }
  func.func @transform_3(%arg0: i32) -> (i32, i32) {
    %c0_i32 = arith.constant 0 : i32
    %c0_i32_0 = arith.constant 0 : i32
    %c0_i32_1 = arith.constant 0 : i32
    return %c0_i32, %c0_i32_0 : i32, i32
  }
  func.func @transform_4(%arg0: i32) -> (i32, i32) {
    %c0_i32 = arith.constant 0 : i32
    %c0_i32_0 = arith.constant 0 : i32
    %c0_i32_1 = arith.constant 0 : i32
    return %c0_i32, %c0_i32_0 : i32, i32
  }
  func.func @transform_5(%arg0: i32) -> (i32, i32) {
    %c0_i32 = arith.constant 0 : i32
    %c0_i32_0 = arith.constant 0 : i32
    return %arg0, %c0_i32 : i32, i32
  }
}

</mosaic_0001>

<sc_bundles>
// kernel: kernel.11.cloned.1.call-start
scs
__scs_entry_jumppad:
0x0: {  	(pc) =	sbr.rel $0x88, $3  }
0x1: {  	(tag) =	ssettag $0x0;
	lr =	simm.s32 $0x1  }
0x2: {  	[smem:$0x3F8C] =	sst lr;
	_ =	strace $0xD0000000  }
0x3: {  	_ = 	snop  }
0x4: {  	_ = 	snop  }
0x5: {  	_ = 	snop  }
0x6: {  	_ = 	snop  }
0x7: {  	_ = 	snop  }
__scs_overlays_trampoline_lowered:
0x8: {  	[smem:$0x3F9B] =	sst s0  }
0x9: {  	[smem:$0x3F9C] =	sst s1  }
0xa: {  	[smem:$0x3F9D] =	sst s2  }
0xb: {  	[smem:$0x3F9E] =	sst s3  }
0xc: {  	[smem:$0x3F9F] =	sst s4  }
0xd: {  	[smem:$0x3FA0] =	sst s5  }
0xe: {  	[smem:$0x3FA1] =	sst s6  }
0xf: {  	[smem:$0x3FA2] =	sst s7  }
0x10: {  	[smem:$0x3FA3] =	sst s8  }
0x11: {  	[smem:$0x3FA4] =	sst s9;
	s0 =	simm.s32 @!p0 $0x0  }
0x12: {  	s1 =	sld [smem:$0x3F8A];
	s0 =	simm.s32 @p0 $0x1  }
0x13: {  	[smem:$0x3FA5] =	sst s0;
	s0 =	simm.s32 @!p1 $0x0  }
0x14: {  	s2 =	sld [smem:$0x3F89];
	s0 =	simm.s32 @p1 $0x1  }
0x15: {  	[smem:$0x3FA6] =	sst s0;
	s0 =	simm.s32 @!p2 $0x0  }
0x16: {  	s3 =	sld [smem:$0x3FDB];
	s0 =	simm.s32 @p2 $0x1  }
0x17: {  	s4 =	simm.s32 $0x1BF5;
	[smem:$0x3FA8] =	sst s0  }
0x18: {  	s0 =	sld [smem:$0x3F8B];
	_ =	swait.ge [sflag:s4], $0x0  }
0x19: {  	s7 =	sld [smem:$0x3F8C]  }
0x1a: {  	s8 =	sadd.s32 $0xFFFFE003, lr  }
0x1b: {  	s9 =	sadd.s32 $0xFFFFFEF7, lr;
	s5 =	simm.s32 $0xFFFFFFFF;
	p2 =	slt.u32 s8, $0xFFFFF086  }
0x1c: {  	p1 =	slt.u32 s9, $0xF7A;
	s5 =	simm.s32 @!p2 $0x0  }
0x1d: {  	s5 =	simm.s32 @p1 $0x1;
	p0 =	seq.s32 s7, s2  }
0x1e: {  	s7 =	smul.u32 @!p0 $0xF7A, s2;
	p2 =	seq.s32 @!p0 s5, $0x0  }
0x1f: {  	s9 =	smul.u32 $0xF7A, s1;
	s8 =	simm.s32 @!p0 $0x1BF5;
	p2 =	por !p2, p0  }
0x20: {  	[sflag:s8] =	ssyncset.s32 @!p0 $0xFFFFF086;
	s6 =	sadd.s32 @!p0 s3, s7;
	s7 =	simm.s32 @!p0 $0x108  }
0x21: {  	s3 =	sadd.s32 s3, s9;
	s6 =	sadd.s32 @!p0 $0x88, s6;
	s7 =	simm.s32 @p2 $0x1082  }
0x22: {  	[simem:s7], [sflag:s8] =	dma.local @!p0 [hbm:s6], $0xF7A  }
0x23: {  	s9 =	sor.u32 $0xD0000000, s2;
	s6 =	simm.s32 $0x108;
	_ =	swait.ge @!p0 [sflag:s8], $0x0  }
0x24: {  	s3 =	sadd.s32 $0x88, s3;
	s6 =	simm.s32 @!p1 $0x1082;
	[sflag:s4] =	ssyncset.s32 $0xFFFFF086  }
0x25: {  	[simem:s6], [sflag:s4] =	dma.local [hbm:s3], $0xF7A  }
0x26: {  	[smem:$0x3F8C] =	sst s1;
	(tag) =	ssettag s2;
	_ =	strace s9  }
0x27: {  	s1 =	sld [smem:$0x3F9C]  }
0x28: {  	s2 =	sld [smem:$0x3F9D]  }
0x29: {  	s4 =	sld [smem:$0x3F9F]  }
0x2a: {  	p0 =	seq.s32 s5, $0x0;
	s5 =	sld [smem:$0x3FA0]  }
0x2b: {  	s6 =	sld [smem:$0x3FA1]  }
0x2c: {  	s7 =	sld [smem:$0x3FA2]  }
0x2d: {  	s3 =	simm.s32 $0x108;
	s8 =	sld [smem:$0x3FA3]  }
0x2e: {  	s3 =	simm.s32 @!p0 $0x1082;
	s9 =	sld [smem:$0x3FA4]  }
0x2f: {  	lr =	sadd.s32 s0, s3;
	s0 =	sld [smem:$0x3F9B]  }
0x30: {  	s3 =	sld [smem:$0x3F9E]  }
0x31: {  	[smem:$0x3FA7] =	sst s10  }
0x32: {  	s10 =	sld [smem:$0x3FA5];
	_ =	sdelay $0x3  }
0x33: {  	p0 =	seq.s32 s10, $0x1;
	s10 =	sld [smem:$0x3FA7];
	_ =	sdelay $0x3  }
0x34: {  	[smem:$0x3FA7] =	sst s10  }
0x35: {  	s10 =	sld [smem:$0x3FA6];
	_ =	sdelay $0x3  }
0x36: {  	p1 =	seq.s32 s10, $0x1;
	s10 =	sld [smem:$0x3FA7];
	_ =	sdelay $0x3  }
0x37: {  	[smem:$0x3FA7] =	sst s10  }
0x38: {  	s10 =	sld [smem:$0x3FA8]  }
0x39: {  	_ = 	snop;
	(pc) =	sbr.ind lr, $3  }
0x3a: {  	_ = 	snop  }
0x3b: {  	_ = 	snop  }
0x3c: {  	p2 =	seq.s32 s10, $0x1;
	s10 =	sld [smem:$0x3FA7]  }
0x3d: {  	_ =	shalt  }
0x3e: {  	_ =	shalt  }
0x3f: {  	_ =	shalt  }
0x40: {  	_ =	shalt  }
0x41: {  	_ =	shalt  }
0x42: {  	_ =	shalt  }
0x43: {  	_ =	shalt  }
0x44: {  	_ =	shalt  }
0x45: {  	_ =	shalt  }
0x46: {  	_ =	shalt  }
0x47: {  	_ =	shalt  }
0x48: {  	_ =	shalt  }
0x49: {  	_ =	shalt  }
0x4a: {  	_ =	shalt  }
0x4b: {  	_ =	shalt  }
0x4c: {  	_ =	shalt  }
0x4d: {  	_ =	shalt  }
0x4e: {  	_ =	shalt  }
0x4f: {  	_ =	shalt  }
0x50: {  	_ =	shalt  }
0x51: {  	_ =	shalt  }
0x52: {  	_ =	shalt  }
0x53: {  	_ =	shalt  }
0x54: {  	_ =	shalt  }
0x55: {  	_ =	shalt  }
0x56: {  	_ =	shalt  }
0x57: {  	_ =	shalt  }
0x58: {  	_ =	shalt  }
0x59: {  	_ =	shalt  }
0x5a: {  	_ =	shalt  }
0x5b: {  	_ =	shalt  }
0x5c: {  	_ =	shalt  }
0x5d: {  	_ =	shalt  }
0x5e: {  	_ =	shalt  }
0x5f: {  	_ =	shalt  }
0x60: {  	_ =	shalt  }
0x61: {  	_ =	shalt  }
0x62: {  	_ =	shalt  }
0x63: {  	_ =	shalt  }
0x64: {  	_ =	shalt  }
0x65: {  	_ =	shalt  }
0x66: {  	_ =	shalt  }
0x67: {  	_ =	shalt  }
0x68: {  	_ =	shalt  }
0x69: {  	_ =	shalt  }
0x6a: {  	_ =	shalt  }
0x6b: {  	_ =	shalt  }
0x6c: {  	_ =	shalt  }
0x6d: {  	_ =	shalt  }
0x6e: {  	_ =	shalt  }
0x6f: {  	_ =	shalt  }
0x70: {  	_ =	shalt  }
0x71: {  	_ =	shalt  }
0x72: {  	_ =	shalt  }
0x73: {  	_ =	shalt  }
0x74: {  	_ =	shalt  }
0x75: {  	_ =	shalt  }
0x76: {  	_ =	shalt  }
0x77: {  	_ =	shalt  }
0x78: {  	_ =	shalt  }
0x79: {  	_ =	shalt  }
0x7a: {  	_ =	shalt  }
0x7b: {  	_ =	shalt  }
0x7c: {  	_ =	shalt  }
0x7d: {  	_ =	shalt  }
0x7e: {  	_ =	shalt  }
0x7f: {  	_ =	shalt  }
0x80: {  	_ =	shalt  }
0x81: {  	_ =	shalt  }
0x82: {  	_ =	shalt  }
0x83: {  	_ =	shalt  }
0x84: {  	_ =	shalt  }
0x85: {  	_ =	shalt  }
0x86: {  	_ =	shalt  }
0x87: {  	_ =	shalt  }
.Lfunc_end0:
.L_simem_size_0:
called_computation.1_lowered:
.L_overlay_start_0:
0x88: {  	s2 =	sld [smem:$0x3FD9]  }
0x89: {  	s3 =	sld [smem:$0x3FFE];
	_ =	sdelay $0x1  }
0x8a: {  	s1 =	srdreg.scid  }
0x8b: {  	s0 =	sand.u32 $0x1, s1  }
0x8c: {  	s17 =	sshll.u32 s0, $0xA;
	s2 =	sadd.s32 s3, s2  }
0x8d: {  	s2 =	sadd.s32 s2, s17  }
0x8e: {  	[smem:$0x3FB3] =	sst s2  }
0x8f: {  	_ = 	snop  }
0x90: {  	s18 =	sld [smem:$0x3FD0];
	(tm) =	ssettm $0x1  }
0x91: {  	s19 =	sld [smem:$0x3FFB];
	_ =	sdelay $0x3  }
0x92: {  	_ =	strace s19  }
0x93: {  	s2 =	sld [smem:$0x3FFC];
	_ =	sdelay $0x3  }
0x94: {  	_ =	strace s2  }
0x95: {  	s2 =	sld [smem:$0x3FFD];
	_ =	sdelay $0x3  }
0x96: {  	_ =	strace s2  }
0x97: {  	_ =	strace $0x8FFFFFFF  }
0x98: {  	s20 =	sld [smem:$0x3FDB];
	_ =	sdelay $0x1  }
0x99: {  	s4 =	simm.s32 $_scs_section_size  }
0x9a: {  	s5 =	simm.s32 $_size__tile_overlayer_lowered;
	s6 =	simm.s32 $_tile_overlayer_lowered  }
0x9b: {  	s7 =	simm.s32 $0x1BFF;
	s21 =	sshll.u32 s6, $0x1;
	s4 =	sadd.s32 s4, s20  }
0x9c: {  	s22 =	simm.s32 $0x0;
	s5 =	sshll.u32 s5, $0x1;
	s6 =	sadd.s32 s21, s4  }
0x9d: {  	[timem:s22], [sflag:s7] =	dma.local [hbm:s6], s5  }
0x9e: {  	_ =	swait.ge [sflag:s7], s5  }
0x9f: {  	s5 =	ssub.s32 $0x0, s5;
	[sflag:s7] =	ssyncset.done $0x0  }
0xa0: {  	[sflag:s7] =	ssyncadd.s32 s5;
	_ =	sdelay $0x1  }
0xa1: {  	s23 =	simm.s32 $0x1B8B  }
0xa2: {  	_ =	swait.ge [sflag:s23], $0x1  }
0xa3: {  	[sflag:s23] =	ssyncset.done $0x0  }
0xa4: {  	[sflag:s23] =	ssyncadd.s32 $0xFFFFFFFF  }
0xa5: {  	s5 =	sld [smem:$0x0]  }
0xa6: {  	s6 =	sand.u32 $0xFFFFFFFE, s1  }
0xa7: {  	p0 =	sne.s32 s1, s6  }
0xa8: {  	s6 =	sshll.u32 @p0 s6, $0xE  }
0xa9: {  	s6 =	sadd.s32 @p0 $0x11B8D, s6;
	s7 =	sshll.u32 @p0 s5, $0x11  }
0xaa: {  	s6 =	sor.u32 @p0 s7, s6  }
0xab: {  	[sflag:s6] =	ssyncadd.remote.s32 @p0 $0x1;
	_ =	sdelay $0x1  }
0xac: {  	s6 =	simm.s32 @p0 $0x1B8D  }
0xad: {  	_ =	swait.eq @p0 [sflag:s6], $0x1  }
0xae: {  	[sflag:s6] =	ssyncadd.s32 @p0 $0xFFFFFFFF  }
0xaf: {  	s7 =	sshll.u32 @!p0 s1, $0xE  }
0xb0: {  	s7 =	sor.u32 @!p0 $0x4000, s7;
	s6 =	simm.s32 @!p0 $0x1B8D  }
0xb1: {  	s5 =	sshll.u32 @!p0 s5, $0x11;
	s7 =	sadd.s32 @!p0 $0x11B8D, s7;
	_ =	swait.eq @!p0 [sflag:s6], $0x1  }
0xb2: {  	s5 =	sor.u32 @!p0 s5, s7;
	[sflag:s6] =	ssyncadd.s32 @!p0 $0xFFFFFFFF  }
0xb3: {  	s25 =	simm.s32 $0x1B8E;
	s24 =	sld [smem:$0x3FFE];
	[sflag:s5] =	ssyncadd.remote.s32 @!p0 $0x1  }
0xb4: {  	s26 =	simm.s32 $execute0_lowered;
	[smem:$0x3FD2] =	sst s25  }
0xb5: {  	s6 =	sshll.u32 s26, $0x1;
	_ =	strace $0x8000004C;
	[dreg:$0x1] =	wrdreg $0xFFFFFFFF  }
0xb6: {  	s28 =	simm.s32 $_size_execute0_lowered;
	s4 =	sadd.s32 s4, s6;
	[dreg:$0x0] =	wrdreg $0x0  }
0xb7: {  	s6 =	sshll.u32 s28, $0x1;
	[dreg:$0x2] =	wrdreg s4  }
0xb8: {  	[dreg:$0x3] =	wrdreg s6  }
0xb9: {  	[dreg:$0x4] =	wrdreg $0xC0  }
0xba: {  	_ =	task [dreg:s22], $0x5FFFF  }
0xbb: {  	[dreg:$0x1] =	wrdreg $0xFFFFFFFF  }
0xbc: {  	[dreg:$0x0] =	wrdreg $0x60  }
0xbd: {  	[dreg:$0x2] =	wrdreg s24  }
0xbe: {  	[dreg:$0x3] =	wrdreg s18  }
0xbf: {  	[dreg:$0x4] =	wrdreg $0x0  }
0xc0: {  	[dreg:$0x5] =	wrdreg $0x9  }
0xc1: {  	_ =	task.clear_ibuf [dreg:s22], $0x6FFFF;
	_ =	strace $0x9000004C  }
0xc2: {  	s29 =	simm.s32 $0x9;
	_ =	strace $0x8000004E  }
0xc3: {  	_ =	swait.ge [sflag:s29], $0x1  }
0xc4: {  	[sflag:s29] =	ssyncadd.s32 $0xFFFFFFFF  }
0xc5: {  	_ =	strace $0x9000004E  }
0xc6: {  	_ =	sfence  }
0xc7: {  	s30 =	sld [smem:$0x0];
	_ =	sdelay $0x2  }
0xc8: {  	s31 =	sshll.u32 s1, $0xD;
	s1 =	sshrl.u32 s1, $0x2  }
0xc9: {  	s4 =	sand.u32 $0x4000, s31;
	s1 =	sadd.s32 s1, s30  }
0xca: {  	s0 =	sor.u32 s4, s0;
	s1 =	sshll.u32 s1, $0x11  }
0xcb: {  	s0 =	sor.u32 s1, s0  }
0xcc: {  	s0 =	sadd.s32 $0x8F2B, s0  }
0xcd: {  	[sflag:s0] =	ssyncadd.remote.s32 $0x1  }
0xce: {  	_ =	sfence.sel $0xFFFF  }
0xcf: {  	[dreg:$0x0] =	wrdreg $0xFFFFFFFF;
	(pc) =	sbr.abs _section_cstart, $3  }
0xd0: {  	[dreg:$0x1] =	wrdreg $0xFFFFFFFF  }
0xd1: {  	_ =	task.clear_ibuf [dreg:s22], $0x2FFFF;
	_ =	strace $0x9FFFFFFF  }
0xd2: {  	(tm) =	ssettm $0x7FFFFFFF  }
0xd3: {  	_ =	shalt  }
tec
execute0_lowered:
.L_overlay_start_1:
0x0: {  	(tag) =	ssettag $0x1  }
0x1: {  	s1 =	stileid.u32  }
0x2: {  	s2 =	smul.u32 $0x4E200, s1  }
0x3: {  	s4 =	srdreg.scid;
	s5 =	smul.u32 $0x4E20, s1  }
0x4: {  	s19 =	sand.u32 $0x1, s4;
	s9 =	smul.u32 $0x2800, s1  }
0x5: {  	s6 =	smul.u32 $0x2710, s19  }
0x6: {  	s8 =	sor.u32 $0x10, s1;
	s7 =	smul.u32 $0x138800, s19  }
0x7: {  	s26 =	sor.u32 $0x20, s1;
	s10 =	smul.u32 $0x2800, s8  }
0x8: {  	s11 =	sor.u32 $0x30, s1;
	s12 =	smul.u32 $0x2800, s26  }
0x9: {  	s14 =	sor.u32 $0x40, s1;
	s15 =	smul.u32 $0x2800, s11  }
0xa: {  	s17 =	sor.u32 $0x50, s1;
	s18 =	smul.u32 $0x2800, s14  }
0xb: {  	s24 =	sor.u32 $0x70, s1;
	s20 =	smul.u32 $0x2800, s17  }
0xc: {  	s0 =	rddreg [dreg:$0x0];
	s22 =	smul.u32 $0x2800, s24  }
0xd: {  	s3 =	rddreg [dreg:$0x2];
	s4 =	simm.s32 $0x0;
	s8 =	smul.u32 $0xA000, s8  }
0xe: {  	s30 =	simm.s32 $0x0;
	[smem:$0x7FF] =	sst s4;
	s11 =	smul.u32 $0xA000, s11  }
0xf: {  	s13 =	ssub.s32 $0x2, s19;
	s28 =	smul.u32 $0xA000, s17;
	p0 =	sgt.u32 s24, $0x7C  }
0x10: {  	_ =	strace $0x8000004D;
	s16 =	sshrl.u32 s13, $0x1;
	s2 =	sadd.s32 s2, s0  }
0x11: {  	s5 =	sadd.s32 s6, s5;
	s13 =	ssub.s32 s13, s16;
	s16 =	sor.u32 $0x60, s1  }
0x12: {  	s21 =	sadd.s32 s7, s9;
	s10 =	sadd.s32 s7, s10;
	s12 =	sadd.s32 s7, s12  }
0x13: {  	s15 =	sadd.s32 s7, s15;
	s18 =	sadd.s32 s7, s18;
	s20 =	sadd.s32 s7, s20  }
0x14: {  	s22 =	sadd.s32 s7, s22;
	s1 =	smul.u32 $0xA000, s1;
	s11 =	sshrl.u32 s11, $0x2  }
0x15: {  	s5 =	sshrl.u32 s5, $0x3;
	s31 =	smul.u32 $0x2800, s16;
	s9 =	sadd.s32 s11, s3  }
0x16: {  	s29 =	smul.u32 $0xA000, s16;
	s12 =	sshrl.u32 s12, $0x3;
	s15 =	sshrl.u32 s15, $0x3  }
0x17: {  	s16 =	sshrl.u32 s18, $0x3;
	s17 =	sshrl.u32 s20, $0x3;
	s20 =	sshrl.u32 s22, $0x3  }
0x18: {  	s22 =	sshrl.u32 s28, $0x2;
	s28 =	simm.s32 $0x50;
	s25 =	sadd.s32 s5, s0  }
0x19: {  	s0 =	sadd.s32 $0xB4400, s0;
	s5 =	smul.u32 $0xA000, s26;
	s26 =	smax.u32 s13, $0x1  }
0x1a: {  	s13 =	sshrl.u32 s21, $0x3;
	s21 =	smul.u32 $0xA000, s24;
	s24 =	simm.s32 $0x13880  }
0x1b: {  	s23 =	sadd.s32 s7, s31;
	s7 =	sshrl.u32 s1, $0x2;
	[dreg:$0x4] =	wrdreg s26  }
0x1c: {  	s31 =	sshrl.u32 s8, $0x2;
	s12 =	sadd.s32 s0, s12;
	s6 =	sadd.s32 s7, s3  }
0x1d: {  	s1 =	sshrl.u32 s5, $0x2;
	s5 =	smul.u32 $0xA000, s14;
	s7 =	sadd.s32 s31, s3  }
0x1e: {  	s14 =	sshrl.u32 s10, $0x3;
	s10 =	sadd.s32 s0, s13;
	s13 =	sadd.s32 s0, s15  }
0x1f: {  	s15 =	sadd.s32 s0, s17;
	s18 =	sshrl.u32 s23, $0x3;
	s17 =	sadd.s32 s0, s20  }
0x20: {  	s23 =	smul.u32 $0x27100, s19;
	s19 =	sadd.s32 s22, s3;
	s11 =	sadd.s32 s0, s14  }
0x21: {  	s14 =	sadd.s32 s0, s16;
	s16 =	sadd.s32 s0, s18;
	s0 =	sshrl.u32 s21, $0x2  }
0x22: {  	s8 =	sadd.s32 s1, s3;
	s26 =	sshrl.u32 s5, $0x2;
	s21 =	sadd.s32 s0, s3  }
0x23: {  	s31 =	sadd.s32 s23, s2;
	s23 =	sadd.s32 $0xE000, s25;
	s25 =	simm.s32 $0x1  }
0x24: {  	s18 =	sadd.s32 s26, s3;
	s26 =	sshrl.u32 s29, $0x2;
	s22 =	sadd.s32 $0xF0C200, s31  }
0x25: {  	s29 =	simm.s32 $0x2;
	s20 =	sadd.s32 s26, s3;
	s26 =	simm.s32 $0x16080  }
.LBB2_1:
0x26: {  	s0 =	rddreg [dreg:$0x1]  }
0x27: {  	[tilespmem:s24], [sflag:$0x1] =	stream.linear.gather [hbm4b:s0+s4], $0x2800, $0x38;
	[tilespmem:$0x16100] =	vst v63  }
0x28: {  	_ =	swait.ge [sflag:s25], $0x2800  }
0x29: {  	[sflag:s25] =	ssyncset.done $0x0  }
0x2a: {  	[sflag:s25] =	ssyncadd.s32 $0xFFFFD800  }
0x2b: {  	[spmem:s6] =	stream.linear.scatter [tilespmem:s24], [sflag:$0x1], $0x2800, $0x38;
	[tilespmem:$0x16100] =	vst v63  }
0x2c: {  	_ =	swait.ge [sflag:s25], $0x2800  }
0x2d: {  	[sflag:s25] =	ssyncset.done $0x0  }
0x2e: {  	[sflag:s25] =	ssyncadd.s32 $0xFFFFD800  }
0x2f: {  	[spmem:s7] =	stream.linear.scatter [tilespmem:s24], [sflag:$0x1], $0x2800, $0x38;
	[tilespmem:$0x16100] =	vst v63  }
0x30: {  	_ =	swait.ge [sflag:s25], $0x2800  }
0x31: {  	[sflag:s25] =	ssyncset.done $0x0  }
0x32: {  	[sflag:s25] =	ssyncadd.s32 $0xFFFFD800  }
0x33: {  	[spmem:s8] =	stream.linear.scatter [tilespmem:s24], [sflag:$0x1], $0x2800, $0x38;
	[tilespmem:$0x16100] =	vst v63  }
0x34: {  	_ =	swait.ge [sflag:s25], $0x2800  }
0x35: {  	[sflag:s25] =	ssyncset.done $0x0  }
0x36: {  	[sflag:s25] =	ssyncadd.s32 $0xFFFFD800  }
0x37: {  	[spmem:s9] =	stream.linear.scatter [tilespmem:s24], [sflag:$0x1], $0x2800, $0x38;
	[tilespmem:$0x16100] =	vst v63  }
0x38: {  	_ =	swait.ge [sflag:s25], $0x2800  }
0x39: {  	[sflag:s25] =	ssyncset.done $0x0  }
0x3a: {  	[sflag:s25] =	ssyncadd.s32 $0xFFFFD800  }
0x3b: {  	[spmem:s18] =	stream.linear.scatter [tilespmem:s24], [sflag:$0x1], $0x2800, $0x38;
	[tilespmem:$0x16100] =	vst v63  }
0x3c: {  	_ =	swait.ge [sflag:s25], $0x2800  }
0x3d: {  	[sflag:s25] =	ssyncset.done $0x0  }
0x3e: {  	[sflag:s25] =	ssyncadd.s32 $0xFFFFD800  }
0x3f: {  	[spmem:s19] =	stream.linear.scatter [tilespmem:s24], [sflag:$0x1], $0x2800, $0x38;
	[tilespmem:$0x16100] =	vst v63  }
0x40: {  	_ =	swait.ge [sflag:s25], $0x2800  }
0x41: {  	[sflag:s25] =	ssyncset.done $0x0  }
0x42: {  	[sflag:s25] =	ssyncadd.s32 $0xFFFFD800  }
0x43: {  	[spmem:s20] =	stream.linear.scatter [tilespmem:s24], [sflag:$0x1], $0x2800, $0x38;
	[tilespmem:$0x16100] =	vst v63  }
0x44: {  	_ =	swait.ge [sflag:s25], $0x2800  }
0x45: {  	[sflag:s25] =	ssyncset.done $0x0  }
0x46: {  	s0 =	simm.s32 @!p0 $0x13880;
	[sflag:s25] =	ssyncadd.s32 $0xFFFFD800  }
0x47: {  	[spmem:s21] =	stream.linear.scatter @!p0 [tilespmem:s0], [sflag:$0x1], $0x2800, $0x38;
	[tilespmem:$0x16100] =	vst v63  }
0x48: {  	s0 =	simm.s32 @!p0 $0x1  }
0x49: {  	_ =	swait.ge @!p0 [sflag:s0], $0x2800  }
0x4a: {  	[sflag:s0] =	ssyncset.done @!p0 $0x0  }
0x4b: {  	[sflag:s0] =	ssyncadd.s32 @!p0 $0xFFFFD800  }
0x4c: {  	s5 =	sadd.s32 $0x0, s23;
	[bflag:$0x0] =	sbarrier.arrive $0xFFFF  }
0x4d: {  	[tilespmem:s26], [sflag:$0x1] =	stream.linear.gather [hbm4b:s5+s4], $0x50, $0x38;
	[tilespmem:$0x16100] =	vst v63  }
0x4e: {  	_ =	swait.ge [sflag:s25], $0x50  }
0x4f: {  	[sflag:s25] =	ssyncset.done $0x0  }
0x50: {  	[sflag:s25] =	ssyncadd.s32 $0xFFFFFFB0  }
0x51: {  	[tilespmem:s24], [sflag:$0x1] =	stream.linear.gather [hbm4b:s22+s4], $0x2800, $0x38;
	[tilespmem:$0x16100] =	vst v63  }
0x52: {  	_ =	swait.ge [sflag:s25], $0x2800  }
0x53: {  	[sflag:s25] =	ssyncset.done $0x0  }
0x54: {  	[sflag:s25] =	ssyncadd.s32 $0xFFFFD800  }
0x55: {  	[spmem:s3] =	stream.indirect.scatter.add.f32 [tilespmem:s24], [sflag:$0x1], $0x80, s26, s28, $0xb8;
	[tilespmem:$0x16100] =	vst v63  }
0x56: {  	s2 =	simm.s32 $0xA;
	_ =	swait.ge [sflag:s25], $0x2800  }
0x57: {  	s31 =	sadd.s32 $0x500, s22;
	s0 =	simm.s32 $0x14;
	[sflag:s25] =	ssyncset.done $0x0  }
.LBB2_2:
0x58: {  	s1 =	sadd.s32 s2, s23  }
0x59: {  	[sflag:s25] =	ssyncadd.s32 $0xFFFFD800;
	s2 =	smov.u32 s0;
	s5 =	sadd.s32 $0xA, s0  }
0x5a: {  	[tilespmem:s26], [sflag:$0x1] =	stream.linear.gather [hbm4b:s1+s4], $0x50, $0x38;
	[tilespmem:$0x16100] =	vst v63  }
0x5b: {  	p1 =	sne.s32 s0, $0x4D8;
	_ =	swait.ge [sflag:s25], $0x50  }
0x5c: {  	[sflag:s25] =	ssyncset.done $0x0  }
0x5d: {  	[sflag:s25] =	ssyncadd.s32 $0xFFFFFFB0  }
0x5e: {  	[tilespmem:s24], [sflag:$0x1] =	stream.linear.gather [hbm4b:s31+s4], $0x2800, $0x38;
	[tilespmem:$0x16100] =	vst v63  }
0x5f: {  	_ =	swait.ge [sflag:s25], $0x2800  }
.Ltmp0:
0x60: {  	[sflag:s25] =	ssyncset.done $0x0;
	(pc) =	sbr.rel @p1 .LBB2_2-.Ltmp0, $4  }
0x61: {  	[sflag:s25] =	ssyncadd.s32 $0xFFFFD800  }
0x62: {  	[spmem:s3] =	stream.indirect.scatter.add.f32 [tilespmem:s24], [sflag:$0x1], $0x80, s26, s28, $0xb8;
	[tilespmem:$0x16100] =	vst v63  }
0x63: {  	_ =	swait.ge [sflag:s25], $0x2800  }
0x64: {  	s0 =	smov.u32 s5;
	s31 =	sadd.s32 $0x500, s31;
	[sflag:s25] =	ssyncset.done $0x0  }
0x65: {  	s0 =	sadd.s32 s2, s23;
	[sflag:s25] =	ssyncadd.s32 $0xFFFFD800  }
0x66: {  	[tilespmem:s26], [sflag:$0x1] =	stream.linear.gather [hbm4b:s0+s4], $0x50, $0x38;
	[tilespmem:$0x16100] =	vst v63  }
0x67: {  	_ =	swait.ge [sflag:s25], $0x50  }
0x68: {  	[sflag:s25] =	ssyncset.done $0x0  }
0x69: {  	[sflag:s25] =	ssyncadd.s32 $0xFFFFFFB0  }
0x6a: {  	[tilespmem:s24], [sflag:$0x1] =	stream.linear.gather [hbm4b:s31+s4], $0x2800, $0x38;
	[tilespmem:$0x16100] =	vst v63  }
0x6b: {  	_ =	swait.ge [sflag:s25], $0x2800  }
0x6c: {  	[sflag:s25] =	ssyncset.done $0x0  }
0x6d: {  	[sflag:s25] =	ssyncadd.s32 $0xFFFFD800  }
0x6e: {  	[spmem:s3] =	stream.indirect.scatter.add.f32 [tilespmem:s24], [sflag:$0x1], $0x80, s26, s28, $0xb8;
	[tilespmem:$0x16100] =	vst v63  }
0x6f: {  	_ =	swait.ge [sflag:s25], $0x2800  }
0x70: {  	[sflag:s25] =	ssyncset.done $0x0  }
0x71: {  	[sflag:s25] =	ssyncadd.s32 $0xFFFFD800  }
0x72: {  	[bflag:$0x0] =	sbarrier.arrive $0xFFFF  }
0x73: {  	[tilespmem:s24], [sflag:$0x2] =	stream.linear.gather [spmem:s6], $0x2800, $0x38;
	[tilespmem:$0x16100] =	vst v63  }
0x74: {  	_ =	swait.ge [sflag:s29], $0x2800  }
0x75: {  	[sflag:s29] =	ssyncset.done $0x0  }
0x76: {  	[sflag:s29] =	ssyncadd.s32 $0xFFFFD800  }
0x77: {  	[hbm4b:s10+s4] =	stream.linear.scatter [tilespmem:s24], [sflag:$0x1], $0x2800, $0x38;
	[tilespmem:$0x16100] =	vst v63  }
0x78: {  	_ =	swait.ge [sflag:s25], $0x2800  }
0x79: {  	[sflag:s25] =	ssyncset.done $0x0  }
0x7a: {  	[sflag:s25] =	ssyncadd.s32 $0xFFFFD800  }
0x7b: {  	[tilespmem:s24], [sflag:$0x2] =	stream.linear.gather [spmem:s7], $0x2800, $0x38;
	[tilespmem:$0x16100] =	vst v63  }
0x7c: {  	_ =	swait.ge [sflag:s29], $0x2800  }
0x7d: {  	[sflag:s29] =	ssyncset.done $0x0  }
0x7e: {  	[sflag:s29] =	ssyncadd.s32 $0xFFFFD800  }
0x7f: {  	[hbm4b:s11+s4] =	stream.linear.scatter [tilespmem:s24], [sflag:$0x1], $0x2800, $0x38;
	[tilespmem:$0x16100] =	vst v63  }
0x80: {  	_ =	swait.ge [sflag:s25], $0x2800  }
0x81: {  	[sflag:s25] =	ssyncset.done $0x0  }
0x82: {  	[sflag:s25] =	ssyncadd.s32 $0xFFFFD800  }
0x83: {  	[tilespmem:s24], [sflag:$0x2] =	stream.linear.gather [spmem:s8], $0x2800, $0x38;
	[tilespmem:$0x16100] =	vst v63  }
0x84: {  	_ =	swait.ge [sflag:s29], $0x2800  }
0x85: {  	[sflag:s29] =	ssyncset.done $0x0  }
0x86: {  	[sflag:s29] =	ssyncadd.s32 $0xFFFFD800  }
0x87: {  	[hbm4b:s12+s4] =	stream.linear.scatter [tilespmem:s24], [sflag:$0x1], $0x2800, $0x38;
	[tilespmem:$0x16100] =	vst v63  }
0x88: {  	_ =	swait.ge [sflag:s25], $0x2800  }
0x89: {  	[sflag:s25] =	ssyncset.done $0x0  }
0x8a: {  	[sflag:s25] =	ssyncadd.s32 $0xFFFFD800  }
0x8b: {  	[tilespmem:s24], [sflag:$0x2] =	stream.linear.gather [spmem:s9], $0x2800, $0x38;
	[tilespmem:$0x16100] =	vst v63  }
0x8c: {  	_ =	swait.ge [sflag:s29], $0x2800  }
0x8d: {  	[sflag:s29] =	ssyncset.done $0x0  }
0x8e: {  	[sflag:s29] =	ssyncadd.s32 $0xFFFFD800  }
0x8f: {  	[hbm4b:s13+s4] =	stream.linear.scatter [tilespmem:s24], [sflag:$0x1], $0x2800, $0x38;
	[tilespmem:$0x16100] =	vst v63  }
0x90: {  	_ =	swait.ge [sflag:s25], $0x2800  }
0x91: {  	[sflag:s25] =	ssyncset.done $0x0  }
0x92: {  	[sflag:s25] =	ssyncadd.s32 $0xFFFFD800  }
0x93: {  	[tilespmem:s24], [sflag:$0x2] =	stream.linear.gather [spmem:s18], $0x2800, $0x38;
	[tilespmem:$0x16100] =	vst v63  }
0x94: {  	_ =	swait.ge [sflag:s29], $0x2800  }
0x95: {  	[sflag:s29] =	ssyncset.done $0x0  }
0x96: {  	[sflag:s29] =	ssyncadd.s32 $0xFFFFD800  }
0x97: {  	[hbm4b:s14+s4] =	stream.linear.scatter [tilespmem:s24], [sflag:$0x1], $0x2800, $0x38;
	[tilespmem:$0x16100] =	vst v63  }
0x98: {  	_ =	swait.ge [sflag:s25], $0x2800  }
0x99: {  	[sflag:s25] =	ssyncset.done $0x0  }
0x9a: {  	[sflag:s25] =	ssyncadd.s32 $0xFFFFD800  }
0x9b: {  	[tilespmem:s24], [sflag:$0x2] =	stream.linear.gather [spmem:s19], $0x2800, $0x38;
	[tilespmem:$0x16100] =	vst v63  }
0x9c: {  	_ =	swait.ge [sflag:s29], $0x2800  }
0x9d: {  	[sflag:s29] =	ssyncset.done $0x0  }
0x9e: {  	[sflag:s29] =	ssyncadd.s32 $0xFFFFD800  }
0x9f: {  	[hbm4b:s15+s4] =	stream.linear.scatter [tilespmem:s24], [sflag:$0x1], $0x2800, $0x38;
	[tilespmem:$0x16100] =	vst v63  }
0xa0: {  	_ =	swait.ge [sflag:s25], $0x2800  }
0xa1: {  	[sflag:s25] =	ssyncset.done $0x0  }
0xa2: {  	[sflag:s25] =	ssyncadd.s32 $0xFFFFD800  }
0xa3: {  	[tilespmem:s24], [sflag:$0x2] =	stream.linear.gather [spmem:s20], $0x2800, $0x38;
	[tilespmem:$0x16100] =	vst v63  }
0xa4: {  	_ =	swait.ge [sflag:s29], $0x2800  }
0xa5: {  	[sflag:s29] =	ssyncset.done $0x0  }
0xa6: {  	[sflag:s29] =	ssyncadd.s32 $0xFFFFD800  }
0xa7: {  	[hbm4b:s16+s4] =	stream.linear.scatter [tilespmem:s24], [sflag:$0x1], $0x2800, $0x38;
	[tilespmem:$0x16100] =	vst v63  }
0xa8: {  	_ =	swait.ge [sflag:s25], $0x2800  }
0xa9: {  	[sflag:s25] =	ssyncset.done $0x0  }
0xaa: {  	s1 =	simm.s32 @!p0 $0x2;
	s0 =	simm.s32 @!p0 $0x13880;
	[sflag:s25] =	ssyncadd.s32 $0xFFFFD800  }
0xab: {  	[tilespmem:s0], [sflag:$0x2] =	stream.linear.gather @!p0 [spmem:s21], $0x2800, $0x38;
	[tilespmem:$0x16100] =	vst v63  }
0xac: {  	_ =	swait.ge @!p0 [sflag:s1], $0x2800  }
0xad: {  	[sflag:s1] =	ssyncset.done @!p0 $0x0  }
0xae: {  	[sflag:s1] =	ssyncadd.s32 @!p0 $0xFFFFD800;
	s1 =	simm.s32 @!p0 $0x0  }
0xaf: {  	[hbm4b:s17+s1] =	stream.linear.scatter @!p0 [tilespmem:s0], [sflag:$0x1], $0x2800, $0x38;
	[tilespmem:$0x16100] =	vst v63  }
0xb0: {  	s0 =	simm.s32 @!p0 $0x1  }
0xb1: {  	_ =	swait.ge @!p0 [sflag:s0], $0x2800  }
0xb2: {  	s30 =	sadd.s32 $0x1, s30;
	s31 =	rddreg [dreg:$0x4]  }
0xb3: {  	p1 =	sne.s32 s30, s31  }
.Ltmp1:
0xb4: {  	_ = 	snop;
	(pc) =	sbr.rel @p1 .LBB2_1-.Ltmp1, $3  }
0xb5: {  	_ =	sdelay $0x1  }
0xb6: {  	[sflag:s0] =	ssyncset.done @!p0 $0x0  }
0xb7: {  	[sflag:s0] =	ssyncadd.s32 @!p0 $0xFFFFD800  }
0xb8: {  	_ =	sfence.sel $0x180000  }
0xb9: {  	[bflag:$0x0] =	sbarrier.arrive $0xFFFF  }
0xba: {  	_ =	strace $0x9000004D  }
0xbb: {  	s0 =	stileid.u32;
	[bflag:$0x2] =	sbarrier.arrive $0xFFFF  }
0xbc: {  	p0 =	sne.s32 s0, $0x0;
	s0 =	rddreg [dreg:$0x3]  }
0xbd: {  	s0 =	sadd.s32 @!p0 $0x100000, s0  }
0xbe: {  	[sflag:s0] =	ssyncadd.tile.s32 @!p0 $0x1;
	_ =	shalt  }
.Lfunc_end2:
_tile_overlayer_lowered:
.L_overlay_start_2:
0xbf: {  	(tag) =	ssettag $0x2  }
0xc0: {  	s0 =	rddreg [dreg:$0x0];
	s2 =	stileid.u32  }
0xc1: {  	s1 =	rddreg [dreg:$0x1];
	p0 =	sne.s32 s2, $0x0  }
0xc2: {  	s3 =	rddreg [dreg:$0x2];
	[bflag:$0x3] =	sbarrier.arrive $0xFFFF;
	s2 =	simm.s32 @!p0 $0x1C01  }
0xc3: {  	[timem:s3], [sflag:s2] =	dma.local @!p0 [hbm:s0], s1  }
0xc4: {  	s0 =	simm.s32 @!p0 $0x1  }
0xc5: {  	_ =	swait.ge @!p0 [sflag:s0], s1  }
0xc6: {  	s1 =	ssub.s32 @!p0 $0x0, s1;
	[sflag:s0] =	ssyncset.done @!p0 $0x0  }
0xc7: {  	[sflag:s0] =	ssyncadd.s32 @!p0 s1  }
0xc8: {  	[bflag:$0x3] =	sbarrier.arrive $0xFFFF  }
0xc9: {  	_ =	shalt  }

// kernel: kernel.14.cloned.1.call-start
scs
__scs_entry_jumppad:
0x0: {  	(pc) =	sbr.rel $0x88, $3  }
0x1: {  	(tag) =	ssettag $0x0;
	lr =	simm.s32 $0x1  }
0x2: {  	[smem:$0x3F8C] =	sst lr;
	_ =	strace $0xD0000000  }
0x3: {  	_ = 	snop  }
0x4: {  	_ = 	snop  }
0x5: {  	_ = 	snop  }
0x6: {  	_ = 	snop  }
0x7: {  	_ = 	snop  }
__scs_overlays_trampoline_lowered:
0x8: {  	[smem:$0x3F9B] =	sst s0  }
0x9: {  	[smem:$0x3F9C] =	sst s1  }
0xa: {  	[smem:$0x3F9D] =	sst s2  }
0xb: {  	[smem:$0x3F9E] =	sst s3  }
0xc: {  	[smem:$0x3F9F] =	sst s4  }
0xd: {  	[smem:$0x3FA0] =	sst s5  }
0xe: {  	[smem:$0x3FA1] =	sst s6  }
0xf: {  	[smem:$0x3FA2] =	sst s7  }
0x10: {  	[smem:$0x3FA3] =	sst s8  }
0x11: {  	[smem:$0x3FA4] =	sst s9;
	s0 =	simm.s32 @!p0 $0x0  }
0x12: {  	s1 =	sld [smem:$0x3F8A];
	s0 =	simm.s32 @p0 $0x1  }
0x13: {  	[smem:$0x3FA5] =	sst s0;
	s0 =	simm.s32 @!p1 $0x0  }
0x14: {  	s2 =	sld [smem:$0x3F89];
	s0 =	simm.s32 @p1 $0x1  }
0x15: {  	[smem:$0x3FA6] =	sst s0;
	s0 =	simm.s32 @!p2 $0x0  }
0x16: {  	s3 =	sld [smem:$0x3FDB];
	s0 =	simm.s32 @p2 $0x1  }
0x17: {  	s4 =	simm.s32 $0x1BF5;
	[smem:$0x3FA8] =	sst s0  }
0x18: {  	s0 =	sld [smem:$0x3F8B];
	_ =	swait.ge [sflag:s4], $0x0  }
0x19: {  	s7 =	sld [smem:$0x3F8C]  }
0x1a: {  	s8 =	sadd.s32 $0xFFFFE003, lr  }
0x1b: {  	s9 =	sadd.s32 $0xFFFFFEF7, lr;
	s5 =	simm.s32 $0xFFFFFFFF;
	p2 =	slt.u32 s8, $0xFFFFF086  }
0x1c: {  	p1 =	slt.u32 s9, $0xF7A;
	s5 =	simm.s32 @!p2 $0x0  }
0x1d: {  	s5 =	simm.s32 @p1 $0x1;
	p0 =	seq.s32 s7, s2  }
0x1e: {  	s7 =	smul.u32 @!p0 $0xF7A, s2;
	p2 =	seq.s32 @!p0 s5, $0x0  }
0x1f: {  	s9 =	smul.u32 $0xF7A, s1;
	s8 =	simm.s32 @!p0 $0x1BF5;
	p2 =	por !p2, p0  }
0x20: {  	[sflag:s8] =	ssyncset.s32 @!p0 $0xFFFFF086;
	s6 =	sadd.s32 @!p0 s3, s7;
	s7 =	simm.s32 @!p0 $0x108  }
0x21: {  	s3 =	sadd.s32 s3, s9;
	s6 =	sadd.s32 @!p0 $0x88, s6;
	s7 =	simm.s32 @p2 $0x1082  }
0x22: {  	[simem:s7], [sflag:s8] =	dma.local @!p0 [hbm:s6], $0xF7A  }
0x23: {  	s9 =	sor.u32 $0xD0000000, s2;
	s6 =	simm.s32 $0x108;
	_ =	swait.ge @!p0 [sflag:s8], $0x0  }
0x24: {  	s3 =	sadd.s32 $0x88, s3;
	s6 =	simm.s32 @!p1 $0x1082;
	[sflag:s4] =	ssyncset.s32 $0xFFFFF086  }
0x25: {  	[simem:s6], [sflag:s4] =	dma.local [hbm:s3], $0xF7A  }
0x26: {  	[smem:$0x3F8C] =	sst s1;
	(tag) =	ssettag s2;
	_ =	strace s9  }
0x27: {  	s1 =	sld [smem:$0x3F9C]  }
0x28: {  	s2 =	sld [smem:$0x3F9D]  }
0x29: {  	s4 =	sld [smem:$0x3F9F]  }
0x2a: {  	p0 =	seq.s32 s5, $0x0;
	s5 =	sld [smem:$0x3FA0]  }
0x2b: {  	s6 =	sld [smem:$0x3FA1]  }
0x2c: {  	s7 =	sld [smem:$0x3FA2]  }
0x2d: {  	s3 =	simm.s32 $0x108;
	s8 =	sld [smem:$0x3FA3]  }
0x2e: {  	s3 =	simm.s32 @!p0 $0x1082;
	s9 =	sld [smem:$0x3FA4]  }
0x2f: {  	lr =	sadd.s32 s0, s3;
	s0 =	sld [smem:$0x3F9B]  }
0x30: {  	s3 =	sld [smem:$0x3F9E]  }
0x31: {  	[smem:$0x3FA7] =	sst s10  }
0x32: {  	s10 =	sld [smem:$0x3FA5];
	_ =	sdelay $0x3  }
0x33: {  	p0 =	seq.s32 s10, $0x1;
	s10 =	sld [smem:$0x3FA7];
	_ =	sdelay $0x3  }
0x34: {  	[smem:$0x3FA7] =	sst s10  }
0x35: {  	s10 =	sld [smem:$0x3FA6];
	_ =	sdelay $0x3  }
0x36: {  	p1 =	seq.s32 s10, $0x1;
	s10 =	sld [smem:$0x3FA7];
	_ =	sdelay $0x3  }
0x37: {  	[smem:$0x3FA7] =	sst s10  }
0x38: {  	s10 =	sld [smem:$0x3FA8]  }
0x39: {  	_ = 	snop;
	(pc) =	sbr.ind lr, $3  }
0x3a: {  	_ = 	snop  }
0x3b: {  	_ = 	snop  }
0x3c: {  	p2 =	seq.s32 s10, $0x1;
	s10 =	sld [smem:$0x3FA7]  }
0x3d: {  	_ =	shalt  }
0x3e: {  	_ =	shalt  }
0x3f: {  	_ =	shalt  }
0x40: {  	_ =	shalt  }
0x41: {  	_ =	shalt  }
0x42: {  	_ =	shalt  }
0x43: {  	_ =	shalt  }
0x44: {  	_ =	shalt  }
0x45: {  	_ =	shalt  }
0x46: {  	_ =	shalt  }
0x47: {  	_ =	shalt  }
0x48: {  	_ =	shalt  }
0x49: {  	_ =	shalt  }
0x4a: {  	_ =	shalt  }
0x4b: {  	_ =	shalt  }
0x4c: {  	_ =	shalt  }
0x4d: {  	_ =	shalt  }
0x4e: {  	_ =	shalt  }
0x4f: {  	_ =	shalt  }
0x50: {  	_ =	shalt  }
0x51: {  	_ =	shalt  }
0x52: {  	_ =	shalt  }
0x53: {  	_ =	shalt  }
0x54: {  	_ =	shalt  }
0x55: {  	_ =	shalt  }
0x56: {  	_ =	shalt  }
0x57: {  	_ =	shalt  }
0x58: {  	_ =	shalt  }
0x59: {  	_ =	shalt  }
0x5a: {  	_ =	shalt  }
0x5b: {  	_ =	shalt  }
0x5c: {  	_ =	shalt  }
0x5d: {  	_ =	shalt  }
0x5e: {  	_ =	shalt  }
0x5f: {  	_ =	shalt  }
0x60: {  	_ =	shalt  }
0x61: {  	_ =	shalt  }
0x62: {  	_ =	shalt  }
0x63: {  	_ =	shalt  }
0x64: {  	_ =	shalt  }
0x65: {  	_ =	shalt  }
0x66: {  	_ =	shalt  }
0x67: {  	_ =	shalt  }
0x68: {  	_ =	shalt  }
0x69: {  	_ =	shalt  }
0x6a: {  	_ =	shalt  }
0x6b: {  	_ =	shalt  }
0x6c: {  	_ =	shalt  }
0x6d: {  	_ =	shalt  }
0x6e: {  	_ =	shalt  }
0x6f: {  	_ =	shalt  }
0x70: {  	_ =	shalt  }
0x71: {  	_ =	shalt  }
0x72: {  	_ =	shalt  }
0x73: {  	_ =	shalt  }
0x74: {  	_ =	shalt  }
0x75: {  	_ =	shalt  }
0x76: {  	_ =	shalt  }
0x77: {  	_ =	shalt  }
0x78: {  	_ =	shalt  }
0x79: {  	_ =	shalt  }
0x7a: {  	_ =	shalt  }
0x7b: {  	_ =	shalt  }
0x7c: {  	_ =	shalt  }
0x7d: {  	_ =	shalt  }
0x7e: {  	_ =	shalt  }
0x7f: {  	_ =	shalt  }
0x80: {  	_ =	shalt  }
0x81: {  	_ =	shalt  }
0x82: {  	_ =	shalt  }
0x83: {  	_ =	shalt  }
0x84: {  	_ =	shalt  }
0x85: {  	_ =	shalt  }
0x86: {  	_ =	shalt  }
0x87: {  	_ =	shalt  }
.Lfunc_end0:
.L_simem_size_0:
called_computation.2_lowered:
.L_overlay_start_0:
0x88: {  	s2 =	sld [smem:$0x3FD9]  }
0x89: {  	s3 =	sld [smem:$0x3FFE];
	_ =	sdelay $0x1  }
0x8a: {  	s1 =	srdreg.scid  }
0x8b: {  	s0 =	sand.u32 $0x1, s1  }
0x8c: {  	s17 =	sshll.u32 s0, $0xA;
	s2 =	sadd.s32 s3, s2  }
0x8d: {  	s2 =	sadd.s32 s2, s17  }
0x8e: {  	[smem:$0x3FB3] =	sst s2  }
0x8f: {  	_ = 	snop  }
0x90: {  	s2 =	sld [smem:$0x3FD0];
	(tm) =	ssettm $0x1  }
0x91: {  	s18 =	sld [smem:$0x3FFB];
	_ =	sdelay $0x3  }
0x92: {  	_ =	strace s18  }
0x93: {  	s3 =	sld [smem:$0x3FFC];
	_ =	sdelay $0x3  }
0x94: {  	_ =	strace s3  }
0x95: {  	s3 =	sld [smem:$0x3FFD];
	_ =	sdelay $0x3  }
0x96: {  	_ =	strace s3  }
0x97: {  	_ =	strace $0x8FFFFFFF  }
0x98: {  	s19 =	sld [smem:$0x3FDB];
	_ =	sdelay $0x1  }
0x99: {  	s4 =	simm.s32 $_scs_section_size  }
0x9a: {  	s5 =	simm.s32 $_size__tile_overlayer_lowered;
	s6 =	simm.s32 $_tile_overlayer_lowered  }
0x9b: {  	s22 =	simm.s32 $0x1BFF;
	s21 =	sshll.u32 s6, $0x1;
	s3 =	sadd.s32 s4, s19  }
0x9c: {  	s7 =	simm.s32 $0x0;
	s20 =	sshll.u32 s5, $0x1;
	s5 =	sadd.s32 s21, s3  }
0x9d: {  	[timem:s7], [sflag:s22] =	dma.local [hbm:s5], s20  }
0x9e: {  	_ =	swait.ge [sflag:s22], s20  }
0x9f: {  	s4 =	ssub.s32 $0x0, s20;
	[sflag:s22] =	ssyncset.done $0x0  }
0xa0: {  	[sflag:s22] =	ssyncadd.s32 s4;
	_ =	sdelay $0x1  }
0xa1: {  	s23 =	simm.s32 $0x1B8B  }
0xa2: {  	_ =	swait.ge [sflag:s23], $0x1  }
0xa3: {  	[sflag:s23] =	ssyncset.done $0x0  }
0xa4: {  	s25 =	simm.s32 $0x1B8E;
	s24 =	sld [smem:$0x3FFE];
	[sflag:s23] =	ssyncadd.s32 $0xFFFFFFFF  }
0xa5: {  	s26 =	simm.s32 $execute0_lowered;
	[smem:$0x3FD2] =	sst s25  }
0xa6: {  	s5 =	sshll.u32 s26, $0x1;
	_ =	strace $0x80000049;
	[dreg:$0x1] =	wrdreg $0xFFFFFFFF  }
0xa7: {  	s28 =	simm.s32 $_size_execute0_lowered;
	s3 =	sadd.s32 s3, s5;
	[dreg:$0x0] =	wrdreg $0x0  }
0xa8: {  	s5 =	sshll.u32 s28, $0x1;
	[dreg:$0x2] =	wrdreg s3  }
0xa9: {  	[dreg:$0x3] =	wrdreg s5  }
0xaa: {  	[dreg:$0x4] =	wrdreg $0xC0  }
0xab: {  	_ =	task [dreg:s7], $0x5FFFF  }
0xac: {  	[dreg:$0x1] =	wrdreg $0xFFFFFFFF  }
0xad: {  	[dreg:$0x0] =	wrdreg $0x60  }
0xae: {  	[dreg:$0x2] =	wrdreg s24  }
0xaf: {  	[dreg:$0x3] =	wrdreg s2  }
0xb0: {  	[dreg:$0x4] =	wrdreg $0x0  }
0xb1: {  	[dreg:$0x5] =	wrdreg $0xA  }
0xb2: {  	_ =	task.clear_ibuf [dreg:s7], $0x6FFFF;
	_ =	strace $0x90000049  }
0xb3: {  	s29 =	simm.s32 $0xA;
	_ =	strace $0x8000004B  }
0xb4: {  	_ =	swait.ge [sflag:s29], $0x1  }
0xb5: {  	[sflag:s29] =	ssyncadd.s32 $0xFFFFFFFF  }
0xb6: {  	_ =	strace $0x9000004B  }
0xb7: {  	_ =	sfence  }
0xb8: {  	s30 =	sld [smem:$0x0];
	_ =	sdelay $0x2  }
0xb9: {  	s31 =	sshll.u32 s1, $0xD;
	s1 =	sshrl.u32 s1, $0x2  }
0xba: {  	s3 =	sand.u32 $0x4000, s31;
	s1 =	sadd.s32 s1, s30  }
0xbb: {  	s0 =	sor.u32 s3, s0;
	s1 =	sshll.u32 s1, $0x11  }
0xbc: {  	s0 =	sor.u32 s1, s0  }
0xbd: {  	s0 =	sadd.s32 $0x8F2B, s0  }
0xbe: {  	[sflag:s0] =	ssyncadd.remote.s32 $0x1  }
0xbf: {  	_ =	sfence.sel $0xFFFF  }
0xc0: {  	[dreg:$0x0] =	wrdreg $0xFFFFFFFF;
	(pc) =	sbr.abs _section_cstart, $3  }
0xc1: {  	[dreg:$0x1] =	wrdreg $0xFFFFFFFF  }
0xc2: {  	_ =	task.clear_ibuf [dreg:s7], $0x2FFFF;
	_ =	strace $0x9FFFFFFF  }
0xc3: {  	(tm) =	ssettm $0x7FFFFFFF  }
tec
execute0_lowered:
.L_overlay_start_1:
0x0: {  	(tag) =	ssettag $0x1  }
0x1: {  	s1 =	stileid.u32  }
0x2: {  	s2 =	smul.u32 $0x4E200, s1  }
0x3: {  	s4 =	srdreg.scid;
	s5 =	smul.u32 $0x4E20, s1  }
0x4: {  	s19 =	sand.u32 $0x1, s4;
	s9 =	smul.u32 $0x2800, s1  }
0x5: {  	s6 =	smul.u32 $0x2710, s19  }
0x6: {  	s8 =	sor.u32 $0x10, s1;
	s7 =	smul.u32 $0x138800, s19  }
0x7: {  	s26 =	sor.u32 $0x20, s1;
	s10 =	smul.u32 $0x2800, s8  }
0x8: {  	s11 =	sor.u32 $0x30, s1;
	s12 =	smul.u32 $0x2800, s26  }
0x9: {  	s14 =	sor.u32 $0x40, s1;
	s15 =	smul.u32 $0x2800, s11  }
0xa: {  	s17 =	sor.u32 $0x50, s1;
	s18 =	smul.u32 $0x2800, s14  }
0xb: {  	s24 =	sor.u32 $0x70, s1;
	s20 =	smul.u32 $0x2800, s17  }
0xc: {  	s0 =	rddreg [dreg:$0x0];
	s22 =	smul.u32 $0x2800, s24  }
0xd: {  	s3 =	rddreg [dreg:$0x2];
	s4 =	simm.s32 $0x0;
	s8 =	smul.u32 $0xA000, s8  }
0xe: {  	s30 =	simm.s32 $0x0;
	[smem:$0x7FF] =	sst s4;
	s11 =	smul.u32 $0xA000, s11  }
0xf: {  	s13 =	ssub.s32 $0x2, s19;
	s28 =	smul.u32 $0xA000, s17;
	p0 =	sgt.u32 s24, $0x7C  }
0x10: {  	_ =	strace $0x8000004A;
	s16 =	sshrl.u32 s13, $0x1;
	s2 =	sadd.s32 s2, s0  }
0x11: {  	s5 =	sadd.s32 s6, s5;
	s13 =	ssub.s32 s13, s16;
	s16 =	sor.u32 $0x60, s1  }
0x12: {  	s21 =	sadd.s32 s7, s9;
	s10 =	sadd.s32 s7, s10;
	s12 =	sadd.s32 s7, s12  }
0x13: {  	s15 =	sadd.s32 s7, s15;
	s18 =	sadd.s32 s7, s18;
	s20 =	sadd.s32 s7, s20  }
0x14: {  	s22 =	sadd.s32 s7, s22;
	s1 =	smul.u32 $0xA000, s1;
	s11 =	sshrl.u32 s11, $0x2  }
0x15: {  	s5 =	sshrl.u32 s5, $0x3;
	s31 =	smul.u32 $0x2800, s16;
	s9 =	sadd.s32 s11, s3  }
0x16: {  	s29 =	smul.u32 $0xA000, s16;
	s12 =	sshrl.u32 s12, $0x3;
	s15 =	sshrl.u32 s15, $0x3  }
0x17: {  	s16 =	sshrl.u32 s18, $0x3;
	s17 =	sshrl.u32 s20, $0x3;
	s20 =	sshrl.u32 s22, $0x3  }
0x18: {  	s22 =	sshrl.u32 s28, $0x2;
	s28 =	simm.s32 $0x50;
	s25 =	sadd.s32 s5, s0  }
0x19: {  	s0 =	sadd.s32 $0x66200, s0;
	s5 =	smul.u32 $0xA000, s26;
	s26 =	smax.u32 s13, $0x1  }
0x1a: {  	s13 =	sshrl.u32 s21, $0x3;
	s21 =	smul.u32 $0xA000, s24;
	s24 =	simm.s32 $0x13880  }
0x1b: {  	s23 =	sadd.s32 s7, s31;
	s7 =	sshrl.u32 s1, $0x2;
	[dreg:$0x4] =	wrdreg s26  }
0x1c: {  	s31 =	sshrl.u32 s8, $0x2;
	s12 =	sadd.s32 s0, s12;
	s6 =	sadd.s32 s7, s3  }
0x1d: {  	s1 =	sshrl.u32 s5, $0x2;
	s5 =	smul.u32 $0xA000, s14;
	s7 =	sadd.s32 s31, s3  }
0x1e: {  	s14 =	sshrl.u32 s10, $0x3;
	s10 =	sadd.s32 s0, s13;
	s13 =	sadd.s32 s0, s15  }
0x1f: {  	s15 =	sadd.s32 s0, s17;
	s18 =	sshrl.u32 s23, $0x3;
	s17 =	sadd.s32 s0, s20  }
0x20: {  	s23 =	smul.u32 $0x27100, s19;
	s19 =	sadd.s32 s22, s3;
	s11 =	sadd.s32 s0, s14  }
0x21: {  	s14 =	sadd.s32 s0, s16;
	s16 =	sadd.s32 s0, s18;
	s0 =	sshrl.u32 s21, $0x2  }
0x22: {  	s8 =	sadd.s32 s1, s3;
	s26 =	sshrl.u32 s5, $0x2;
	s21 =	sadd.s32 s0, s3  }
0x23: {  	s31 =	sadd.s32 s23, s2;
	s23 =	sadd.s32 $0xE000, s25;
	s25 =	simm.s32 $0x1  }
0x24: {  	s18 =	sadd.s32 s26, s3;
	s26 =	sshrl.u32 s29, $0x2;
	s22 =	sadd.s32 $0xA2A200, s31  }
0x25: {  	s29 =	simm.s32 $0x2;
	s20 =	sadd.s32 s26, s3;
	s26 =	simm.s32 $0x16080  }
.LBB2_1:
0x26: {  	s0 =	rddreg [dreg:$0x1]  }
0x27: {  	[tilespmem:s24], [sflag:$0x1] =	stream.linear.gather [hbm4b:s0+s4], $0x2800, $0x38;
	[tilespmem:$0x16100] =	vst v63  }
0x28: {  	_ =	swait.ge [sflag:s25], $0x2800  }
0x29: {  	[sflag:s25] =	ssyncset.done $0x0  }
0x2a: {  	[sflag:s25] =	ssyncadd.s32 $0xFFFFD800  }
0x2b: {  	[spmem:s6] =	stream.linear.scatter [tilespmem:s24], [sflag:$0x1], $0x2800, $0x38;
	[tilespmem:$0x16100] =	vst v63  }
0x2c: {  	_ =	swait.ge [sflag:s25], $0x2800  }
0x2d: {  	[sflag:s25] =	ssyncset.done $0x0  }
0x2e: {  	[sflag:s25] =	ssyncadd.s32 $0xFFFFD800  }
0x2f: {  	[spmem:s7] =	stream.linear.scatter [tilespmem:s24], [sflag:$0x1], $0x2800, $0x38;
	[tilespmem:$0x16100] =	vst v63  }
0x30: {  	_ =	swait.ge [sflag:s25], $0x2800  }
0x31: {  	[sflag:s25] =	ssyncset.done $0x0  }
0x32: {  	[sflag:s25] =	ssyncadd.s32 $0xFFFFD800  }
0x33: {  	[spmem:s8] =	stream.linear.scatter [tilespmem:s24], [sflag:$0x1], $0x2800, $0x38;
	[tilespmem:$0x16100] =	vst v63  }
0x34: {  	_ =	swait.ge [sflag:s25], $0x2800  }
0x35: {  	[sflag:s25] =	ssyncset.done $0x0  }
0x36: {  	[sflag:s25] =	ssyncadd.s32 $0xFFFFD800  }
0x37: {  	[spmem:s9] =	stream.linear.scatter [tilespmem:s24], [sflag:$0x1], $0x2800, $0x38;
	[tilespmem:$0x16100] =	vst v63  }
0x38: {  	_ =	swait.ge [sflag:s25], $0x2800  }
0x39: {  	[sflag:s25] =	ssyncset.done $0x0  }
0x3a: {  	[sflag:s25] =	ssyncadd.s32 $0xFFFFD800  }
0x3b: {  	[spmem:s18] =	stream.linear.scatter [tilespmem:s24], [sflag:$0x1], $0x2800, $0x38;
	[tilespmem:$0x16100] =	vst v63  }
0x3c: {  	_ =	swait.ge [sflag:s25], $0x2800  }
0x3d: {  	[sflag:s25] =	ssyncset.done $0x0  }
0x3e: {  	[sflag:s25] =	ssyncadd.s32 $0xFFFFD800  }
0x3f: {  	[spmem:s19] =	stream.linear.scatter [tilespmem:s24], [sflag:$0x1], $0x2800, $0x38;
	[tilespmem:$0x16100] =	vst v63  }
0x40: {  	_ =	swait.ge [sflag:s25], $0x2800  }
0x41: {  	[sflag:s25] =	ssyncset.done $0x0  }
0x42: {  	[sflag:s25] =	ssyncadd.s32 $0xFFFFD800  }
0x43: {  	[spmem:s20] =	stream.linear.scatter [tilespmem:s24], [sflag:$0x1], $0x2800, $0x38;
	[tilespmem:$0x16100] =	vst v63  }
0x44: {  	_ =	swait.ge [sflag:s25], $0x2800  }
0x45: {  	[sflag:s25] =	ssyncset.done $0x0  }
0x46: {  	s0 =	simm.s32 @!p0 $0x13880;
	[sflag:s25] =	ssyncadd.s32 $0xFFFFD800  }
0x47: {  	[spmem:s21] =	stream.linear.scatter @!p0 [tilespmem:s0], [sflag:$0x1], $0x2800, $0x38;
	[tilespmem:$0x16100] =	vst v63  }
0x48: {  	s0 =	simm.s32 @!p0 $0x1  }
0x49: {  	_ =	swait.ge @!p0 [sflag:s0], $0x2800  }
0x4a: {  	[sflag:s0] =	ssyncset.done @!p0 $0x0  }
0x4b: {  	[sflag:s0] =	ssyncadd.s32 @!p0 $0xFFFFD800  }
0x4c: {  	s5 =	sadd.s32 $0x0, s23;
	[bflag:$0x0] =	sbarrier.arrive $0xFFFF  }
0x4d: {  	[tilespmem:s26], [sflag:$0x1] =	stream.linear.gather [hbm4b:s5+s4], $0x50, $0x38;
	[tilespmem:$0x16100] =	vst v63  }
0x4e: {  	_ =	swait.ge [sflag:s25], $0x50  }
0x4f: {  	[sflag:s25] =	ssyncset.done $0x0  }
0x50: {  	[sflag:s25] =	ssyncadd.s32 $0xFFFFFFB0  }
0x51: {  	[tilespmem:s24], [sflag:$0x1] =	stream.linear.gather [hbm4b:s22+s4], $0x2800, $0x38;
	[tilespmem:$0x16100] =	vst v63  }
0x52: {  	_ =	swait.ge [sflag:s25], $0x2800  }
0x53: {  	[sflag:s25] =	ssyncset.done $0x0  }
0x54: {  	[sflag:s25] =	ssyncadd.s32 $0xFFFFD800  }
0x55: {  	[spmem:s3] =	stream.indirect.scatter.add.f32 [tilespmem:s24], [sflag:$0x1], $0x80, s26, s28, $0xb8;
	[tilespmem:$0x16100] =	vst v63  }
0x56: {  	s2 =	simm.s32 $0xA;
	_ =	swait.ge [sflag:s25], $0x2800  }
0x57: {  	s31 =	sadd.s32 $0x500, s22;
	s0 =	simm.s32 $0x14;
	[sflag:s25] =	ssyncset.done $0x0  }
.LBB2_2:
0x58: {  	s1 =	sadd.s32 s2, s23  }
0x59: {  	[sflag:s25] =	ssyncadd.s32 $0xFFFFD800;
	s2 =	smov.u32 s0;
	s5 =	sadd.s32 $0xA, s0  }
0x5a: {  	[tilespmem:s26], [sflag:$0x1] =	stream.linear.gather [hbm4b:s1+s4], $0x50, $0x38;
	[tilespmem:$0x16100] =	vst v63  }
0x5b: {  	p1 =	sne.s32 s0, $0x4D8;
	_ =	swait.ge [sflag:s25], $0x50  }
0x5c: {  	[sflag:s25] =	ssyncset.done $0x0  }
0x5d: {  	[sflag:s25] =	ssyncadd.s32 $0xFFFFFFB0  }
0x5e: {  	[tilespmem:s24], [sflag:$0x1] =	stream.linear.gather [hbm4b:s31+s4], $0x2800, $0x38;
	[tilespmem:$0x16100] =	vst v63  }
0x5f: {  	_ =	swait.ge [sflag:s25], $0x2800  }
.Ltmp0:
0x60: {  	[sflag:s25] =	ssyncset.done $0x0;
	(pc) =	sbr.rel @p1 .LBB2_2-.Ltmp0, $4  }
0x61: {  	[sflag:s25] =	ssyncadd.s32 $0xFFFFD800  }
0x62: {  	[spmem:s3] =	stream.indirect.scatter.add.f32 [tilespmem:s24], [sflag:$0x1], $0x80, s26, s28, $0xb8;
	[tilespmem:$0x16100] =	vst v63  }
0x63: {  	_ =	swait.ge [sflag:s25], $0x2800  }
0x64: {  	s0 =	smov.u32 s5;
	s31 =	sadd.s32 $0x500, s31;
	[sflag:s25] =	ssyncset.done $0x0  }
0x65: {  	s0 =	sadd.s32 s2, s23;
	[sflag:s25] =	ssyncadd.s32 $0xFFFFD800  }
0x66: {  	[tilespmem:s26], [sflag:$0x1] =	stream.linear.gather [hbm4b:s0+s4], $0x50, $0x38;
	[tilespmem:$0x16100] =	vst v63  }
0x67: {  	_ =	swait.ge [sflag:s25], $0x50  }
0x68: {  	[sflag:s25] =	ssyncset.done $0x0  }
0x69: {  	[sflag:s25] =	ssyncadd.s32 $0xFFFFFFB0  }
0x6a: {  	[tilespmem:s24], [sflag:$0x1] =	stream.linear.gather [hbm4b:s31+s4], $0x2800, $0x38;
	[tilespmem:$0x16100] =	vst v63  }
0x6b: {  	_ =	swait.ge [sflag:s25], $0x2800  }
0x6c: {  	[sflag:s25] =	ssyncset.done $0x0  }
0x6d: {  	[sflag:s25] =	ssyncadd.s32 $0xFFFFD800  }
0x6e: {  	[spmem:s3] =	stream.indirect.scatter.add.f32 [tilespmem:s24], [sflag:$0x1], $0x80, s26, s28, $0xb8;
	[tilespmem:$0x16100] =	vst v63  }
0x6f: {  	_ =	swait.ge [sflag:s25], $0x2800  }
0x70: {  	[sflag:s25] =	ssyncset.done $0x0  }
0x71: {  	[sflag:s25] =	ssyncadd.s32 $0xFFFFD800  }
0x72: {  	[bflag:$0x0] =	sbarrier.arrive $0xFFFF  }
0x73: {  	[tilespmem:s24], [sflag:$0x2] =	stream.linear.gather [spmem:s6], $0x2800, $0x38;
	[tilespmem:$0x16100] =	vst v63  }
0x74: {  	_ =	swait.ge [sflag:s29], $0x2800  }
0x75: {  	[sflag:s29] =	ssyncset.done $0x0  }
0x76: {  	[sflag:s29] =	ssyncadd.s32 $0xFFFFD800  }
0x77: {  	[hbm4b:s10+s4] =	stream.linear.scatter [tilespmem:s24], [sflag:$0x1], $0x2800, $0x38;
	[tilespmem:$0x16100] =	vst v63  }
0x78: {  	_ =	swait.ge [sflag:s25], $0x2800  }
0x79: {  	[sflag:s25] =	ssyncset.done $0x0  }
0x7a: {  	[sflag:s25] =	ssyncadd.s32 $0xFFFFD800  }
0x7b: {  	[tilespmem:s24], [sflag:$0x2] =	stream.linear.gather [spmem:s7], $0x2800, $0x38;
	[tilespmem:$0x16100] =	vst v63  }
0x7c: {  	_ =	swait.ge [sflag:s29], $0x2800  }
0x7d: {  	[sflag:s29] =	ssyncset.done $0x0  }
0x7e: {  	[sflag:s29] =	ssyncadd.s32 $0xFFFFD800  }
0x7f: {  	[hbm4b:s11+s4] =	stream.linear.scatter [tilespmem:s24], [sflag:$0x1], $0x2800, $0x38;
	[tilespmem:$0x16100] =	vst v63  }
0x80: {  	_ =	swait.ge [sflag:s25], $0x2800  }
0x81: {  	[sflag:s25] =	ssyncset.done $0x0  }
0x82: {  	[sflag:s25] =	ssyncadd.s32 $0xFFFFD800  }
0x83: {  	[tilespmem:s24], [sflag:$0x2] =	stream.linear.gather [spmem:s8], $0x2800, $0x38;
	[tilespmem:$0x16100] =	vst v63  }
0x84: {  	_ =	swait.ge [sflag:s29], $0x2800  }
0x85: {  	[sflag:s29] =	ssyncset.done $0x0  }
0x86: {  	[sflag:s29] =	ssyncadd.s32 $0xFFFFD800  }
0x87: {  	[hbm4b:s12+s4] =	stream.linear.scatter [tilespmem:s24], [sflag:$0x1], $0x2800, $0x38;
	[tilespmem:$0x16100] =	vst v63  }
0x88: {  	_ =	swait.ge [sflag:s25], $0x2800  }
0x89: {  	[sflag:s25] =	ssyncset.done $0x0  }
0x8a: {  	[sflag:s25] =	ssyncadd.s32 $0xFFFFD800  }
0x8b: {  	[tilespmem:s24], [sflag:$0x2] =	stream.linear.gather [spmem:s9], $0x2800, $0x38;
	[tilespmem:$0x16100] =	vst v63  }
0x8c: {  	_ =	swait.ge [sflag:s29], $0x2800  }
0x8d: {  	[sflag:s29] =	ssyncset.done $0x0  }
0x8e: {  	[sflag:s29] =	ssyncadd.s32 $0xFFFFD800  }
0x8f: {  	[hbm4b:s13+s4] =	stream.linear.scatter [tilespmem:s24], [sflag:$0x1], $0x2800, $0x38;
	[tilespmem:$0x16100] =	vst v63  }
0x90: {  	_ =	swait.ge [sflag:s25], $0x2800  }
0x91: {  	[sflag:s25] =	ssyncset.done $0x0  }
0x92: {  	[sflag:s25] =	ssyncadd.s32 $0xFFFFD800  }
0x93: {  	[tilespmem:s24], [sflag:$0x2] =	stream.linear.gather [spmem:s18], $0x2800, $0x38;
	[tilespmem:$0x16100] =	vst v63  }
0x94: {  	_ =	swait.ge [sflag:s29], $0x2800  }
0x95: {  	[sflag:s29] =	ssyncset.done $0x0  }
0x96: {  	[sflag:s29] =	ssyncadd.s32 $0xFFFFD800  }
0x97: {  	[hbm4b:s14+s4] =	stream.linear.scatter [tilespmem:s24], [sflag:$0x1], $0x2800, $0x38;
	[tilespmem:$0x16100] =	vst v63  }
0x98: {  	_ =	swait.ge [sflag:s25], $0x2800  }
0x99: {  	[sflag:s25] =	ssyncset.done $0x0  }
0x9a: {  	[sflag:s25] =	ssyncadd.s32 $0xFFFFD800  }
0x9b: {  	[tilespmem:s24], [sflag:$0x2] =	stream.linear.gather [spmem:s19], $0x2800, $0x38;
	[tilespmem:$0x16100] =	vst v63  }
0x9c: {  	_ =	swait.ge [sflag:s29], $0x2800  }
0x9d: {  	[sflag:s29] =	ssyncset.done $0x0  }
0x9e: {  	[sflag:s29] =	ssyncadd.s32 $0xFFFFD800  }
0x9f: {  	[hbm4b:s15+s4] =	stream.linear.scatter [tilespmem:s24], [sflag:$0x1], $0x2800, $0x38;
	[tilespmem:$0x16100] =	vst v63  }
0xa0: {  	_ =	swait.ge [sflag:s25], $0x2800  }
0xa1: {  	[sflag:s25] =	ssyncset.done $0x0  }
0xa2: {  	[sflag:s25] =	ssyncadd.s32 $0xFFFFD800  }
0xa3: {  	[tilespmem:s24], [sflag:$0x2] =	stream.linear.gather [spmem:s20], $0x2800, $0x38;
	[tilespmem:$0x16100] =	vst v63  }
0xa4: {  	_ =	swait.ge [sflag:s29], $0x2800  }
0xa5: {  	[sflag:s29] =	ssyncset.done $0x0  }
0xa6: {  	[sflag:s29] =	ssyncadd.s32 $0xFFFFD800  }
0xa7: {  	[hbm4b:s16+s4] =	stream.linear.scatter [tilespmem:s24], [sflag:$0x1], $0x2800, $0x38;
	[tilespmem:$0x16100] =	vst v63  }
0xa8: {  	_ =	swait.ge [sflag:s25], $0x2800  }
0xa9: {  	[sflag:s25] =	ssyncset.done $0x0  }
0xaa: {  	s1 =	simm.s32 @!p0 $0x2;
	s0 =	simm.s32 @!p0 $0x13880;
	[sflag:s25] =	ssyncadd.s32 $0xFFFFD800  }
0xab: {  	[tilespmem:s0], [sflag:$0x2] =	stream.linear.gather @!p0 [spmem:s21], $0x2800, $0x38;
	[tilespmem:$0x16100] =	vst v63  }
0xac: {  	_ =	swait.ge @!p0 [sflag:s1], $0x2800  }
0xad: {  	[sflag:s1] =	ssyncset.done @!p0 $0x0  }
0xae: {  	[sflag:s1] =	ssyncadd.s32 @!p0 $0xFFFFD800;
	s1 =	simm.s32 @!p0 $0x0  }
0xaf: {  	[hbm4b:s17+s1] =	stream.linear.scatter @!p0 [tilespmem:s0], [sflag:$0x1], $0x2800, $0x38;
	[tilespmem:$0x16100] =	vst v63  }
0xb0: {  	s0 =	simm.s32 @!p0 $0x1  }
0xb1: {  	_ =	swait.ge @!p0 [sflag:s0], $0x2800  }
0xb2: {  	s30 =	sadd.s32 $0x1, s30;
	s31 =	rddreg [dreg:$0x4]  }
0xb3: {  	p1 =	sne.s32 s30, s31  }
.Ltmp1:
0xb4: {  	_ = 	snop;
	(pc) =	sbr.rel @p1 .LBB2_1-.Ltmp1, $3  }
0xb5: {  	_ =	sdelay $0x1  }
0xb6: {  	[sflag:s0] =	ssyncset.done @!p0 $0x0  }
0xb7: {  	[sflag:s0] =	ssyncadd.s32 @!p0 $0xFFFFD800  }
0xb8: {  	_ =	sfence.sel $0x180000  }
0xb9: {  	[bflag:$0x0] =	sbarrier.arrive $0xFFFF  }
0xba: {  	_ =	strace $0x9000004A  }
0xbb: {  	s0 =	stileid.u32;
	[bflag:$0x2] =	sbarrier.arrive $0xFFFF  }
0xbc: {  	p0 =	sne.s32 s0, $0x0;
	s0 =	rddreg [dreg:$0x3]  }
0xbd: {  	s0 =	sadd.s32 @!p0 $0x100000, s0  }
0xbe: {  	[sflag:s0] =	ssyncadd.tile.s32 @!p0 $0x1;
	_ =	shalt  }
.Lfunc_end2:
_tile_overlayer_lowered:
.L_overlay_start_2:
0xbf: {  	(tag) =	ssettag $0x2  }
0xc0: {  	s0 =	rddreg [dreg:$0x0];
	s2 =	stileid.u32  }
0xc1: {  	s1 =	rddreg [dreg:$0x1];
	p0 =	sne.s32 s2, $0x0  }
0xc2: {  	s3 =	rddreg [dreg:$0x2];
	[bflag:$0x3] =	sbarrier.arrive $0xFFFF;
	s2 =	simm.s32 @!p0 $0x1C01  }
0xc3: {  	[timem:s3], [sflag:s2] =	dma.local @!p0 [hbm:s0], s1  }
0xc4: {  	s0 =	simm.s32 @!p0 $0x1  }
0xc5: {  	_ =	swait.ge @!p0 [sflag:s0], s1  }
0xc6: {  	s1 =	ssub.s32 @!p0 $0x0, s1;
	[sflag:s0] =	ssyncset.done @!p0 $0x0  }
0xc7: {  	[sflag:s0] =	ssyncadd.s32 @!p0 s1  }
0xc8: {  	[bflag:$0x3] =	sbarrier.arrive $0xFFFF  }
0xc9: {  	_ =	shalt  }

// kernel: kernel.8.cloned.1.call-start
scs
__scs_entry_jumppad:
0x0: {  	(pc) =	sbr.rel $0x88, $3  }
0x1: {  	(tag) =	ssettag $0x0;
	lr =	simm.s32 $0x1  }
0x2: {  	[smem:$0x3F8C] =	sst lr;
	_ =	strace $0xD0000000  }
0x3: {  	_ = 	snop  }
0x4: {  	_ = 	snop  }
0x5: {  	_ = 	snop  }
0x6: {  	_ = 	snop  }
0x7: {  	_ = 	snop  }
__scs_overlays_trampoline_lowered:
0x8: {  	[smem:$0x3F9B] =	sst s0  }
0x9: {  	[smem:$0x3F9C] =	sst s1  }
0xa: {  	[smem:$0x3F9D] =	sst s2  }
0xb: {  	[smem:$0x3F9E] =	sst s3  }
0xc: {  	[smem:$0x3F9F] =	sst s4  }
0xd: {  	[smem:$0x3FA0] =	sst s5  }
0xe: {  	[smem:$0x3FA1] =	sst s6  }
0xf: {  	[smem:$0x3FA2] =	sst s7  }
0x10: {  	[smem:$0x3FA3] =	sst s8  }
0x11: {  	[smem:$0x3FA4] =	sst s9;
	s0 =	simm.s32 @!p0 $0x0  }
0x12: {  	s1 =	sld [smem:$0x3F8A];
	s0 =	simm.s32 @p0 $0x1  }
0x13: {  	[smem:$0x3FA5] =	sst s0;
	s0 =	simm.s32 @!p1 $0x0  }
0x14: {  	s2 =	sld [smem:$0x3F89];
	s0 =	simm.s32 @p1 $0x1  }
0x15: {  	[smem:$0x3FA6] =	sst s0;
	s0 =	simm.s32 @!p2 $0x0  }
0x16: {  	s3 =	sld [smem:$0x3FDB];
	s0 =	simm.s32 @p2 $0x1  }
0x17: {  	s4 =	simm.s32 $0x1BF5;
	[smem:$0x3FA8] =	sst s0  }
0x18: {  	s0 =	sld [smem:$0x3F8B];
	_ =	swait.ge [sflag:s4], $0x0  }
0x19: {  	s7 =	sld [smem:$0x3F8C]  }
0x1a: {  	s8 =	sadd.s32 $0xFFFFE003, lr  }
0x1b: {  	s9 =	sadd.s32 $0xFFFFFEF7, lr;
	s5 =	simm.s32 $0xFFFFFFFF;
	p2 =	slt.u32 s8, $0xFFFFF086  }
0x1c: {  	p1 =	slt.u32 s9, $0xF7A;
	s5 =	simm.s32 @!p2 $0x0  }
0x1d: {  	s5 =	simm.s32 @p1 $0x1;
	p0 =	seq.s32 s7, s2  }
0x1e: {  	s7 =	smul.u32 @!p0 $0xF7A, s2;
	p2 =	seq.s32 @!p0 s5, $0x0  }
0x1f: {  	s9 =	smul.u32 $0xF7A, s1;
	s8 =	simm.s32 @!p0 $0x1BF5;
	p2 =	por !p2, p0  }
0x20: {  	[sflag:s8] =	ssyncset.s32 @!p0 $0xFFFFF086;
	s6 =	sadd.s32 @!p0 s3, s7;
	s7 =	simm.s32 @!p0 $0x108  }
0x21: {  	s3 =	sadd.s32 s3, s9;
	s6 =	sadd.s32 @!p0 $0x88, s6;
	s7 =	simm.s32 @p2 $0x1082  }
0x22: {  	[simem:s7], [sflag:s8] =	dma.local @!p0 [hbm:s6], $0xF7A  }
0x23: {  	s9 =	sor.u32 $0xD0000000, s2;
	s6 =	simm.s32 $0x108;
	_ =	swait.ge @!p0 [sflag:s8], $0x0  }
0x24: {  	s3 =	sadd.s32 $0x88, s3;
	s6 =	simm.s32 @!p1 $0x1082;
	[sflag:s4] =	ssyncset.s32 $0xFFFFF086  }
0x25: {  	[simem:s6], [sflag:s4] =	dma.local [hbm:s3], $0xF7A  }
0x26: {  	[smem:$0x3F8C] =	sst s1;
	(tag) =	ssettag s2;
	_ =	strace s9  }
0x27: {  	s1 =	sld [smem:$0x3F9C]  }
0x28: {  	s2 =	sld [smem:$0x3F9D]  }
0x29: {  	s4 =	sld [smem:$0x3F9F]  }
0x2a: {  	p0 =	seq.s32 s5, $0x0;
	s5 =	sld [smem:$0x3FA0]  }
0x2b: {  	s6 =	sld [smem:$0x3FA1]  }
0x2c: {  	s7 =	sld [smem:$0x3FA2]  }
0x2d: {  	s3 =	simm.s32 $0x108;
	s8 =	sld [smem:$0x3FA3]  }
0x2e: {  	s3 =	simm.s32 @!p0 $0x1082;
	s9 =	sld [smem:$0x3FA4]  }
0x2f: {  	lr =	sadd.s32 s0, s3;
	s0 =	sld [smem:$0x3F9B]  }
0x30: {  	s3 =	sld [smem:$0x3F9E]  }
0x31: {  	[smem:$0x3FA7] =	sst s10  }
0x32: {  	s10 =	sld [smem:$0x3FA5];
	_ =	sdelay $0x3  }
0x33: {  	p0 =	seq.s32 s10, $0x1;
	s10 =	sld [smem:$0x3FA7];
	_ =	sdelay $0x3  }
0x34: {  	[smem:$0x3FA7] =	sst s10  }
0x35: {  	s10 =	sld [smem:$0x3FA6];
	_ =	sdelay $0x3  }
0x36: {  	p1 =	seq.s32 s10, $0x1;
	s10 =	sld [smem:$0x3FA7];
	_ =	sdelay $0x3  }
0x37: {  	[smem:$0x3FA7] =	sst s10  }
0x38: {  	s10 =	sld [smem:$0x3FA8]  }
0x39: {  	_ = 	snop;
	(pc) =	sbr.ind lr, $3  }
0x3a: {  	_ = 	snop  }
0x3b: {  	_ = 	snop  }
0x3c: {  	p2 =	seq.s32 s10, $0x1;
	s10 =	sld [smem:$0x3FA7]  }
0x3d: {  	_ =	shalt  }
0x3e: {  	_ =	shalt  }
0x3f: {  	_ =	shalt  }
0x40: {  	_ =	shalt  }
0x41: {  	_ =	shalt  }
0x42: {  	_ =	shalt  }
0x43: {  	_ =	shalt  }
0x44: {  	_ =	shalt  }
0x45: {  	_ =	shalt  }
0x46: {  	_ =	shalt  }
0x47: {  	_ =	shalt  }
0x48: {  	_ =	shalt  }
0x49: {  	_ =	shalt  }
0x4a: {  	_ =	shalt  }
0x4b: {  	_ =	shalt  }
0x4c: {  	_ =	shalt  }
0x4d: {  	_ =	shalt  }
0x4e: {  	_ =	shalt  }
0x4f: {  	_ =	shalt  }
0x50: {  	_ =	shalt  }
0x51: {  	_ =	shalt  }
0x52: {  	_ =	shalt  }
0x53: {  	_ =	shalt  }
0x54: {  	_ =	shalt  }
0x55: {  	_ =	shalt  }
0x56: {  	_ =	shalt  }
0x57: {  	_ =	shalt  }
0x58: {  	_ =	shalt  }
0x59: {  	_ =	shalt  }
0x5a: {  	_ =	shalt  }
0x5b: {  	_ =	shalt  }
0x5c: {  	_ =	shalt  }
0x5d: {  	_ =	shalt  }
0x5e: {  	_ =	shalt  }
0x5f: {  	_ =	shalt  }
0x60: {  	_ =	shalt  }
0x61: {  	_ =	shalt  }
0x62: {  	_ =	shalt  }
0x63: {  	_ =	shalt  }
0x64: {  	_ =	shalt  }
0x65: {  	_ =	shalt  }
0x66: {  	_ =	shalt  }
0x67: {  	_ =	shalt  }
0x68: {  	_ =	shalt  }
0x69: {  	_ =	shalt  }
0x6a: {  	_ =	shalt  }
0x6b: {  	_ =	shalt  }
0x6c: {  	_ =	shalt  }
0x6d: {  	_ =	shalt  }
0x6e: {  	_ =	shalt  }
0x6f: {  	_ =	shalt  }
0x70: {  	_ =	shalt  }
0x71: {  	_ =	shalt  }
0x72: {  	_ =	shalt  }
0x73: {  	_ =	shalt  }
0x74: {  	_ =	shalt  }
0x75: {  	_ =	shalt  }
0x76: {  	_ =	shalt  }
0x77: {  	_ =	shalt  }
0x78: {  	_ =	shalt  }
0x79: {  	_ =	shalt  }
0x7a: {  	_ =	shalt  }
0x7b: {  	_ =	shalt  }
0x7c: {  	_ =	shalt  }
0x7d: {  	_ =	shalt  }
0x7e: {  	_ =	shalt  }
0x7f: {  	_ =	shalt  }
0x80: {  	_ =	shalt  }
0x81: {  	_ =	shalt  }
0x82: {  	_ =	shalt  }
0x83: {  	_ =	shalt  }
0x84: {  	_ =	shalt  }
0x85: {  	_ =	shalt  }
0x86: {  	_ =	shalt  }
0x87: {  	_ =	shalt  }
.Lfunc_end0:
.L_simem_size_0:
called_computation_lowered:
.L_overlay_start_0:
0x88: {  	s2 =	sld [smem:$0x3FD9]  }
0x89: {  	s3 =	sld [smem:$0x3FFE];
	_ =	sdelay $0x1  }
0x8a: {  	s1 =	srdreg.scid  }
0x8b: {  	s0 =	sand.u32 $0x1, s1  }
0x8c: {  	s17 =	sshll.u32 s0, $0xA;
	s2 =	sadd.s32 s3, s2  }
0x8d: {  	s2 =	sadd.s32 s2, s17  }
0x8e: {  	[smem:$0x3FB3] =	sst s2  }
0x8f: {  	_ = 	snop  }
0x90: {  	s2 =	sld [smem:$0x3FD0];
	(tm) =	ssettm $0x1  }
0x91: {  	s18 =	sld [smem:$0x3FFB];
	_ =	sdelay $0x3  }
0x92: {  	_ =	strace s18  }
0x93: {  	s3 =	sld [smem:$0x3FFC];
	_ =	sdelay $0x3  }
0x94: {  	_ =	strace s3  }
0x95: {  	s3 =	sld [smem:$0x3FFD];
	_ =	sdelay $0x3  }
0x96: {  	_ =	strace s3  }
0x97: {  	_ =	strace $0x8FFFFFFF  }
0x98: {  	s19 =	sld [smem:$0x3FDB];
	_ =	sdelay $0x1  }
0x99: {  	s4 =	simm.s32 $_scs_section_size  }
0x9a: {  	s5 =	simm.s32 $_size__tile_overlayer_lowered;
	s6 =	simm.s32 $_tile_overlayer_lowered  }
0x9b: {  	s22 =	simm.s32 $0x1BFF;
	s21 =	sshll.u32 s6, $0x1;
	s3 =	sadd.s32 s4, s19  }
0x9c: {  	s7 =	simm.s32 $0x0;
	s20 =	sshll.u32 s5, $0x1;
	s5 =	sadd.s32 s21, s3  }
0x9d: {  	[timem:s7], [sflag:s22] =	dma.local [hbm:s5], s20  }
0x9e: {  	_ =	swait.ge [sflag:s22], s20  }
0x9f: {  	s4 =	ssub.s32 $0x0, s20;
	[sflag:s22] =	ssyncset.done $0x0  }
0xa0: {  	[sflag:s22] =	ssyncadd.s32 s4;
	_ =	sdelay $0x1  }
0xa1: {  	s23 =	simm.s32 $0x1B8B  }
0xa2: {  	_ =	swait.ge [sflag:s23], $0x1  }
0xa3: {  	[sflag:s23] =	ssyncset.done $0x0  }
0xa4: {  	s25 =	simm.s32 $0x1B8E;
	s24 =	sld [smem:$0x3FFE];
	[sflag:s23] =	ssyncadd.s32 $0xFFFFFFFF  }
0xa5: {  	s26 =	simm.s32 $execute0_lowered;
	[smem:$0x3FD2] =	sst s25  }
0xa6: {  	s5 =	sshll.u32 s26, $0x1;
	_ =	strace $0x80000046;
	[dreg:$0x1] =	wrdreg $0xFFFFFFFF  }
0xa7: {  	s28 =	simm.s32 $_size_execute0_lowered;
	s3 =	sadd.s32 s3, s5;
	[dreg:$0x0] =	wrdreg $0x0  }
0xa8: {  	s5 =	sshll.u32 s28, $0x1;
	[dreg:$0x2] =	wrdreg s3  }
0xa9: {  	[dreg:$0x3] =	wrdreg s5  }
0xaa: {  	[dreg:$0x4] =	wrdreg $0xC0  }
0xab: {  	_ =	task [dreg:s7], $0x5FFFF  }
0xac: {  	[dreg:$0x1] =	wrdreg $0xFFFFFFFF  }
0xad: {  	[dreg:$0x0] =	wrdreg $0x60  }
0xae: {  	[dreg:$0x2] =	wrdreg s2  }
0xaf: {  	[dreg:$0x3] =	wrdreg s24  }
0xb0: {  	[dreg:$0x4] =	wrdreg $0x9  }
0xb1: {  	_ =	task.clear_ibuf [dreg:s7], $0x5FFFF;
	_ =	strace $0x90000046  }
0xb2: {  	s29 =	simm.s32 $0x9;
	_ =	strace $0x80000048  }
0xb3: {  	_ =	swait.ge [sflag:s29], $0x1  }
0xb4: {  	[sflag:s29] =	ssyncadd.s32 $0xFFFFFFFF  }
0xb5: {  	_ =	strace $0x90000048  }
0xb6: {  	_ =	sfence  }
0xb7: {  	s30 =	sld [smem:$0x0];
	_ =	sdelay $0x2  }
0xb8: {  	s31 =	sshll.u32 s1, $0xD;
	s1 =	sshrl.u32 s1, $0x2  }
0xb9: {  	s3 =	sand.u32 $0x4000, s31;
	s1 =	sadd.s32 s1, s30  }
0xba: {  	s0 =	sor.u32 s3, s0;
	s1 =	sshll.u32 s1, $0x11  }
0xbb: {  	s0 =	sor.u32 s1, s0  }
0xbc: {  	s0 =	sadd.s32 $0x8F2B, s0  }
0xbd: {  	[sflag:s0] =	ssyncadd.remote.s32 $0x1  }
0xbe: {  	_ =	sfence.sel $0xFFFF  }
0xbf: {  	[dreg:$0x0] =	wrdreg $0xFFFFFFFF;
	(pc) =	sbr.abs _section_cstart, $3  }
0xc0: {  	[dreg:$0x1] =	wrdreg $0xFFFFFFFF  }
0xc1: {  	_ =	task.clear_ibuf [dreg:s7], $0x2FFFF;
	_ =	strace $0x9FFFFFFF  }
0xc2: {  	(tm) =	ssettm $0x7FFFFFFF  }
0xc3: {  	_ =	shalt  }
tec
execute0_lowered:
.L_overlay_start_1:
0x0: {  	(tag) =	ssettag $0x1  }
0x1: {  	s1 =	srdreg.scid;
	s2 =	rddreg [dreg:$0x0]  }
0x2: {  	s0 =	stileid.u32;
	s7 =	rddreg [dreg:$0x1]  }
0x3: {  	s3 =	simm.s32 $0x0;
	s11 =	simm.s32 $0x2;
	s12 =	simm.s32 $0x2780  }
0x4: {  	s13 =	simm.s32 $0x50;
	s14 =	simm.s32 $0x4F00;
	s15 =	simm.s32 $0x7700  }
0x5: {  	s16 =	simm.s32 $0x9F00;
	s6 =	sand.u32 $0x1, s1;
	s30 =	sshll.u32 s0, $0x1  }
0x6: {  	s17 =	simm.s32 $0x1;
	s18 =	simm.s32 $0x0;
	s4 =	sor.u32 s6, s30  }
0x7: {  	s1 =	rddreg [dreg:$0x2];
	s31 =	ssub.s32 $0x2, s6;
	s4 =	smul.u32 $0x2710, s4  }
0x8: {  	[smem:$0x7FF] =	sst s3;
	s5 =	sadd.s32 $0x17E00, s7;
	s10 =	sshrl.u32 s31, $0x1  }
0x9: {  	_ =	strace $0x80000047;
	s10 =	ssub.s32 s31, s10;
	s8 =	sshrl.u32 s4, $0x3  }
0xa: {  	s6 =	sadd.s32 $0x66200, s7;
	s10 =	smax.u32 s10, $0x1;
	s9 =	sadd.s32 s8, s7  }
0xb: {  	s7 =	sadd.s32 $0x548200, s7;
	s8 =	sadd.s32 $0x4200, s9;
	s9 =	sadd.s32 $0xE000, s9  }
.LBB2_1:
0xc: {  	[tilespmem:s3], [sflag:$0x2] =	stream.linear.gather [hbm4b:s8+s3], $0x2710, $0x38;
	[tilespmem:$0xC700] =	vst v63  }
0xd: {  	_ =	swait.ge [sflag:s11], $0x2710  }
0xe: {  	[sflag:s11] =	ssyncset.done $0x0  }
0xf: {  	[sflag:s11] =	ssyncadd.s32 $0xFFFFD8F0  }
0x10: {  	[tilespmem:s12], [sflag:$0x2] =	stream.linear.gather [hbm4b:s9+s3], $0x2710, $0x38;
	[tilespmem:$0xC700] =	vst v63  }
0x11: {  	_ =	swait.ge [sflag:s11], $0x2710  }
0x12: {  	[sflag:s11] =	ssyncset.done $0x0  }
0x13: {  	s19 =	simm.s32 $0x0;
	[sflag:s11] =	ssyncadd.s32 $0xFFFFD8F0  }
.LBB2_2:
0x14: {  	s20 =	smul.u32 $0x50, s19;
	_ =	sdelay $0x1  }
0x15: {  	[tilespmem:s14], [sflag:$0x1] =	stream.indirect.gather [hbm4b:s2+s13], $0x80, s20, s13, $0xb8;
	[tilespmem:$0xC700] =	vst v63  }
0x16: {  	_ = 	snop  }
0x17: {  	[tilespmem:s15], [sflag:$0x1] =	stream.indirect.gather [hbm4b:s5+s13], $0x80, s20, s13, $0xb8;
	[tilespmem:$0xC700] =	vst v63  }
0x18: {  	s21 =	sadd.s32 $0x2780, s20  }
0x19: {  	[tilespmem:s16], [sflag:$0x1] =	stream.indirect.gather [hbm4b:s5+s13], $0x80, s21, s13, $0xb8;
	[tilespmem:$0xC700] =	vst v63  }
0x1a: {  	s20 =	sadd.s32 s4, s20;
	_ =	swait.ge [sflag:s17], $0x2800  }
0x1b: {  	s20 =	sshll.u32 s20, $0x4;
	[sflag:s17] =	ssyncset.done $0x0  }
0x1c: {  	s22 =	simm.s32 $0x0;
	s31 =	sadd.s32 s6, s20;
	[sflag:s17] =	ssyncadd.s32 $0xFFFFD800  }
0x1d: {  	[hbm4b:s31+s22] =	stream.linear.scatter [tilespmem:s14], [sflag:$0x2], $0x2800, $0x38;
	[tilespmem:$0xC700] =	vst v63  }
0x1e: {  	_ =	swait.ge [sflag:s11], $0x2800  }
0x1f: {  	[sflag:s11] =	ssyncset.done $0x0  }
0x20: {  	[sflag:s11] =	ssyncadd.s32 $0xFFFFD800  }
0x21: {  	_ =	swait.ge [sflag:s17], $0x2800  }
0x22: {  	[sflag:s17] =	ssyncset.done $0x0  }
0x23: {  	[sflag:s17] =	ssyncadd.s32 $0xFFFFD800  }
0x24: {  	_ =	swait.ge [sflag:s17], $0x2800  }
0x25: {  	[sflag:s17] =	ssyncset.done $0x0  }
0x26: {  	s21 =	simm.s32 $0x0;
	[sflag:s17] =	ssyncadd.s32 $0xFFFFD800  }
0x27: {  	s22 =	simm.s32 $0x200;
	v0 =	vld [tilespmem:s21+$0x7700]  }
.LBB2_3:
0x28: {  	p0 =	sne.s32 s22, $0x9E00;
	v1 =	vld [tilespmem:s21+$0x9F00];
	_ =	sdelay $0x2  }
.Ltmp0:
0x29: {  	(pc) =	sbr.rel @p0 .LBB2_3-.Ltmp0, $4  }
0x2a: {  	_ = 	snop  }
0x2b: {  	v1 =	vsub.f32 v1, v0  }
0x2c: {  	s23 =	sshra.s32 s22, $0x2  }
0x2d: {  	s22 =	sadd.s32 $0x200, s22;
	v0 =	vld [tilespmem:s23+$0x7700];
	[tilespmem:s21+$0x9F00] =	vst v1;
	s21 =	smov.u32 s23  }
0x2e: {  	v1 =	vld [tilespmem:s21+$0x9F00];
	_ =	sdelay $0x4  }
0x2f: {  	s19 =	sadd.s32 $0x1, s19;
	v0 =	vsub.f32 v1, v0  }
0x30: {  	p0 =	sne.s32 s19, $0x7D  }
.Ltmp1:
0x31: {  	s20 =	sadd.s32 s7, s20;
	[tilespmem:s21+$0x9F00] =	vst v0;
	(pc) =	sbr.rel @p0 .LBB2_2-.Ltmp1, $4  }
0x32: {  	[hbm4b:s20+s3] =	stream.linear.scatter [tilespmem:s16], [sflag:$0x2], $0x2800, $0x38;
	[tilespmem:$0xC700] =	vst v63  }
0x33: {  	_ =	swait.ge [sflag:s11], $0x2800  }
0x34: {  	[sflag:s11] =	ssyncset.done $0x0  }
0x35: {  	[sflag:s11] =	ssyncadd.s32 $0xFFFFD800  }
0x36: {  	s18 =	sadd.s32 $0x1, s18  }
0x37: {  	p0 =	sne.s32 s18, s10  }
.Ltmp2:
0x38: {  	_ = 	snop;
	(pc) =	sbr.rel @p0 .LBB2_1-.Ltmp2, $1  }
0x39: {  	_ =	sdelay $0x3  }
0x3a: {  	_ =	sfence.sel $0x180000  }
0x3b: {  	[bflag:$0x0] =	sbarrier.arrive $0xFFFF  }
0x3c: {  	p0 =	sne.s32 s0, $0x0;
	_ =	strace $0x90000047  }
0x3d: {  	s0 =	sadd.s32 @!p0 $0x100000, s1;
	[bflag:$0x2] =	sbarrier.arrive $0xFFFF  }
0x3e: {  	[sflag:s0] =	ssyncadd.tile.s32 @!p0 $0x1;
	_ =	shalt  }
.Lfunc_end2:
_tile_overlayer_lowered:
.L_overlay_start_2:
0x3f: {  	(tag) =	ssettag $0x2  }
0x40: {  	s0 =	rddreg [dreg:$0x0];
	s2 =	stileid.u32  }
0x41: {  	s1 =	rddreg [dreg:$0x1];
	p0 =	sne.s32 s2, $0x0  }
0x42: {  	s3 =	rddreg [dreg:$0x2];
	[bflag:$0x3] =	sbarrier.arrive $0xFFFF;
	s2 =	simm.s32 @!p0 $0x1C02  }
0x43: {  	[timem:s3], [sflag:s2] =	dma.local @!p0 [hbm:s0], s1  }
0x44: {  	s0 =	simm.s32 @!p0 $0x2  }
0x45: {  	_ =	swait.ge @!p0 [sflag:s0], s1  }
0x46: {  	s1 =	ssub.s32 @!p0 $0x0, s1;
	[sflag:s0] =	ssyncset.done @!p0 $0x0  }
0x47: {  	[sflag:s0] =	ssyncadd.s32 @!p0 s1  }
0x48: {  	[bflag:$0x3] =	sbarrier.arrive $0xFFFF  }
0x49: {  	_ =	shalt  }

</sc_bundles>
